<compile_context>
chip_gen: v7x
topology: tpu7x:2x2x1
jax: 0.10.2.dev20260603
libtpu: 0.0.44.dev20260713+nightly
codegen_flags: <defaults>
</compile_context>

<pallas_src>
import functools

import jax
import jax.numpy as jnp
from jax import lax
from jax.experimental import pallas as pl
from jax.experimental.pallas import tpu as pltpu
from jax.experimental.pallas import tpu_sc as plsc

_VOCAB = 30000
_EMB = 128
_HID = 512
_NCLASS = 1000
_NCLASS_PAD = 1024
_B = 64
_S = 512

_NC = 2
_NS = 16
_NW = _NC * _NS
_TOKENS = _B * _S
_PER_W = _TOKENS // _NW
_CHUNK = 512

_CH = 16
_NCHUNK = _S // _CH


def _sc_gather(idx, table):
  mesh = plsc.VectorSubcoreMesh(core_axis_name="c", subcore_axis_name="s")

  @functools.partial(
      pl.kernel,
      mesh=mesh,
      out_type=jax.ShapeDtypeStruct((_TOKENS, _EMB), jnp.float32),
      scratch_types=[
          pltpu.VMEM((_CHUNK,), jnp.int32),
          pltpu.VMEM((_CHUNK, _EMB), jnp.float32),
          pltpu.SemaphoreType.DMA,
      ],
  )
  def gather_kernel(idx_hbm, table_hbm, out_hbm, idx_v, rows_v, sem):
    wid = lax.axis_index("s") * _NC + lax.axis_index("c")
    base = wid * _PER_W
    for ci in range(_PER_W // _CHUNK):
      off = base + ci * _CHUNK
      pltpu.sync_copy(idx_hbm.at[pl.ds(off, _CHUNK)], idx_v)
      pltpu.async_copy(table_hbm.at[idx_v], rows_v, sem).wait()
      pltpu.sync_copy(rows_v, out_hbm.at[pl.ds(off, _CHUNK)])

  return gather_kernel(idx, table)


def _sig(v):
  return 0.5 * jnp.tanh(0.5 * v) + 0.5


def _lstm_body(xe_ref, wx_ref, wh_ref, b_ref, fcw_ref, fcb_ref, out_ref,
               gxa_scr, gxb_scr, h_scr, c_scr):
  h_scr[...] = jnp.zeros_like(h_scr)
  c_scr[...] = jnp.zeros_like(c_scr)

  def fill_gx(gx, ci):
    xc = xe_ref[pl.ds(ci * _CH * _B, _CH * _B), :].astype(jnp.bfloat16)
    gx[...] = (
        jnp.dot(xc, wx_ref[...], preferred_element_type=jnp.float32)
        + b_ref[...]
    )

  fill_gx(gxa_scr, 0)

  def run_steps(cur, nxt, ci_next):
    def step_body(j, _):
      row = j * _B
      xn = xe_ref[pl.ds((ci_next * _CH + j) * _B, _B), :].astype(jnp.bfloat16)
      nxt[pl.ds(row, _B), :] = (
          jnp.dot(xn, wx_ref[...], preferred_element_type=jnp.float32)
          + b_ref[...]
      )

      hb = h_scr[...].astype(jnp.bfloat16)
      c = c_scr[...]

      def gate_chunk(k):
        return (
            cur[pl.ds(row, _B), k * _HID:(k + 1) * _HID]
            + jnp.dot(hb, wh_ref[:, k * _HID:(k + 1) * _HID],
                      preferred_element_type=jnp.float32)
        )

      i_g = _sig(gate_chunk(0))
      f_g = _sig(gate_chunk(1))
      g_g = jnp.tanh(gate_chunk(2))
      o_g = _sig(gate_chunk(3))
      c_new = f_g * c + i_g * g_g
      h_new = o_g * jnp.tanh(c_new)
      h_scr[...] = h_new
      c_scr[...] = c_new
      return 0

    lax.fori_loop(0, _CH, step_body, 0, unroll=4)

  def pair_body(m, _):
    ci1 = 2 * m + 1
    run_steps(gxa_scr, gxb_scr, ci1)
    run_steps(gxb_scr, gxa_scr, lax.rem(ci1 + 1, _NCHUNK))
    return 0

  lax.fori_loop(0, _NCHUNK // 2, pair_body, 0)

  out_ref[...] = (
      jnp.dot(h_scr[...], fcw_ref[...], preferred_element_type=jnp.float32)
      + fcb_ref[...]
  )


def _lstm_fc(xe, wx, wh, b, fcw, fcb):
  return pl.pallas_call(
      _lstm_body,
      out_shape=jax.ShapeDtypeStruct((_B, _NCLASS_PAD), jnp.float32),
      scratch_shapes=[
          pltpu.VMEM((_CH * _B, 4 * _HID), jnp.float32),
          pltpu.VMEM((_CH * _B, 4 * _HID), jnp.float32),
          pltpu.VMEM((_B, _HID), jnp.float32),
          pltpu.VMEM((_B, _HID), jnp.float32),
      ],
  )(xe, wx, wh, b, fcw, fcb)


@jax.jit
def kernel(x, emb, W_ih, W_hh, b_ih, b_hh, fc_W, fc_b):
  idx = jnp.transpose(x, (1, 0)).reshape(_TOKENS)
  xe = _sc_gather(idx, emb)

  wx = W_ih.T.astype(jnp.bfloat16)
  wh = W_hh.T.astype(jnp.bfloat16)
  b = (b_ih + b_hh).reshape(1, 4 * _HID)
  fcw = jnp.pad(fc_W.T, ((0, 0), (0, _NCLASS_PAD - _NCLASS)))
  fcb = jnp.pad(fc_b, (0, _NCLASS_PAD - _NCLASS)).reshape(1, _NCLASS_PAD)

  out = _lstm_fc(xe, wx, wh, b, fcw, fcb)
  return out[:, :_NCLASS]

# --- scband reference (transcript-rebuilt; emitter-appended) ---
"""Pipeline reference for scband-model-65025804861844 (READ-ONLY COPY).

The authoritative reference and input builder live on the scoring server;
editing this copy changes nothing except your own understanding.
"""

import jax, jax.numpy as jnp
import numpy as np

VOCAB = 30000
EMB = 128
HID = 512
NUM_CLASSES = 1000
B = 64
S = 512


def setup_inputs(seed: int = 0) -> dict:
    key = jax.random.key(seed)
    ks = jax.random.split(key, 8)
    x = jax.random.randint(ks[0], (B, S), 0, VOCAB, dtype=jnp.int32)
    emb = jax.random.normal(ks[1], (VOCAB, EMB), dtype=jnp.float32) * 0.02
    k = 1.0 / np.sqrt(HID)
    W_ih = jax.random.uniform(ks[2], (4 * HID, EMB), minval=-k, maxval=k, dtype=jnp.float32)
    W_hh = jax.random.uniform(ks[3], (4 * HID, HID), minval=-k, maxval=k, dtype=jnp.float32)
    b_ih = jax.random.uniform(ks[4], (4 * HID,), minval=-k, maxval=k, dtype=jnp.float32)
    b_hh = jax.random.uniform(ks[5], (4 * HID,), minval=-k, maxval=k, dtype=jnp.float32)
    kf = 1.0 / np.sqrt(HID)
    fc_W = jax.random.uniform(ks[6], (NUM_CLASSES, HID), minval=-kf, maxval=kf, dtype=jnp.float32)
    fc_b = jax.random.uniform(ks[7], (NUM_CLASSES,), minval=-kf, maxval=kf, dtype=jnp.float32)
    return {"x": x, "emb": emb, "W_ih": W_ih, "W_hh": W_hh, "b_ih": b_ih, "b_hh": b_hh, "fc_W": fc_W, "fc_b": fc_b}


def reference(x, emb, W_ih, W_hh, b_ih, b_hh, fc_W, fc_b):
    # nn.Embedding: gather rows
    xe = jnp.take(emb, x, axis=0)            # [B, S, EMB]
    # permute(1, 0, 2) -> time-major
    xt = jnp.transpose(xe, (1, 0, 2))        # [S, B, EMB]
    h0 = jnp.zeros((B, HID), dtype=jnp.float32)
    c0 = jnp.zeros((B, HID), dtype=jnp.float32)

    def step(carry, x_t):
        h, c = carry
        gates = x_t @ W_ih.T + b_ih + h @ W_hh.T + b_hh
        i, f, g, o = jnp.split(gates, 4, axis=-1)  # PyTorch gate order: i, f, g, o
        i = jax.nn.sigmoid(i)
        f = jax.nn.sigmoid(f)
        g = jnp.tanh(g)
        o = jax.nn.sigmoid(o)
        c_new = f * c + i * g
        h_new = o * jnp.tanh(c_new)
        return (h_new, c_new), None

    (hF, cF), _ = jax.lax.scan(step, (h0, c0), xt)
    # fc(hidden.squeeze(0))
    out = hF @ fc_W.T + fc_b                 # [B, NUM_CLASSES]
    return out

if __name__ == "__main__":
    import jax
    _d = setup_inputs()
    print(jax.jit(kernel)(*tuple(_d.values())))

</pallas_src>

<mosaic_0001>
#map = affine_map<(d0, d1) -> (0)>
#map1 = affine_map<(d0, d1) -> (0, 0)>
module attributes {stable_mosaic.version = 14 : i64} {
  func.func @gather_kernel(%arg0: i32, %arg1: i32, %arg2: memref<32768xi32, #tpu.memory_space<hbm>>, %arg3: memref<30000x128xf32, #tpu.memory_space<hbm>>, %arg4: memref<32768x128xf32, #tpu.memory_space<hbm>>, %arg5: memref<512xi32, #tpu.memory_space<vmem>>, %arg6: memref<512x128xf32, #tpu.memory_space<vmem>>, %arg7: memref<!tpu.dma_semaphore, #tpu.memory_space<semaphore_mem>>) attributes {dimension_semantics = [#tpu.dimension_semantics<core_parallel>, #tpu.dimension_semantics<subcore_parallel>], iteration_bounds = array<i64: 2, 16>, scalar_prefetch = 0 : i64, scratch_operands = 3 : i64, tpu.core_type = #tpu.core_type<sc_vector_subcore>, window_params = [{transform_indices = #map}, {transform_indices = #map1}, {transform_indices = #map1}]} {
    %mul3A = arith.constant 2 : i32
    %mul3A_0 = arith.muli %arg1, %mul3A : i32
    %add3A = arith.addi %mul3A_0, %arg0 : i32
    %mul3A_1 = arith.constant 1024 : i32
    %mul3A_2 = arith.muli %add3A, %mul3A_1 : i32
    %add3A_3 = arith.constant 0 : i32
    %add3A_4 = arith.addi %mul3A_2, %add3A_3 : i32
    "tpu.region"() ({
      %run_scoped3A = tpu.sem_alloc : memref<!tpu.dma_semaphore, #tpu.memory_space<semaphore_mem>>
      %dma_start3A_17 = tpu.memref_slice %arg2[%add3A_4] : memref<32768xi32, #tpu.memory_space<hbm>> -> memref<512xi32, #tpu.memory_space<hbm>>
      %dma_start3A_18 = tpu.memref_slice %arg2[%add3A_4] : memref<32768xi32, #tpu.memory_space<hbm>> -> memref<512xi32, #tpu.memory_space<hbm>>
      tpu.enqueue_dma source(%dma_start3A_18 : memref<512xi32, #tpu.memory_space<hbm>>) target(%arg5 : memref<512xi32, #tpu.memory_space<vmem>>) target_semaphore(%run_scoped3A : memref<!tpu.dma_semaphore, #tpu.memory_space<semaphore_mem>>)
      %dma_wait3A_19 = tpu.memref_slice %arg2[%add3A_4] : memref<32768xi32, #tpu.memory_space<hbm>> -> memref<512xi32, #tpu.memory_space<hbm>>
      %dma_wait3A_20 = tpu.memref_slice %arg2[%add3A_4] : memref<32768xi32, #tpu.memory_space<hbm>> -> memref<512xi32, #tpu.memory_space<hbm>>
      tpu.wait_dma2 semaphore(%run_scoped3A : memref<!tpu.dma_semaphore, #tpu.memory_space<semaphore_mem>>) src(%dma_wait3A_20 : memref<512xi32, #tpu.memory_space<hbm>>) dst(%arg5 : memref<512xi32, #tpu.memory_space<vmem>>)
      tpu.yield
    }) : () -> ()
    %dma_start3A = arith.constant 0 : i32
    %dma_start3A_5 = arith.constant 0 : i32
    %dma_start3A_6 = tpu.memref_slice %arg3[%dma_start3A, %dma_start3A_5] : memref<30000x128xf32, #tpu.memory_space<hbm>> -> memref<30000x128xf32, #tpu.memory_space<hbm>>
    tpu.enqueue_indirect_dma source(%dma_start3A_6 : memref<30000x128xf32, #tpu.memory_space<hbm>>) target(%arg6 : memref<512x128xf32, #tpu.memory_space<vmem>>) offsets(%arg5 : memref<512xi32, #tpu.memory_space<vmem>>) semaphore(%arg7 : memref<!tpu.dma_semaphore, #tpu.memory_space<semaphore_mem>>)
    %dma_wait3A = arith.constant 0 : i32
    %dma_wait3A_7 = arith.constant 0 : i32
    %dma_wait3A_8 = tpu.memref_slice %arg3[%dma_wait3A, %dma_wait3A_7] : memref<30000x128xf32, #tpu.memory_space<hbm>> -> memref<30000x128xf32, #tpu.memory_space<hbm>>
    tpu.wait_indirect_dma semaphore(%arg7 : memref<!tpu.dma_semaphore, #tpu.memory_space<semaphore_mem>>) src(%dma_wait3A_8 : memref<30000x128xf32, #tpu.memory_space<hbm>>) dst(%arg6 : memref<512x128xf32, #tpu.memory_space<vmem>>)
    "tpu.region"() ({
      %run_scoped3A = tpu.sem_alloc : memref<!tpu.dma_semaphore, #tpu.memory_space<semaphore_mem>>
      %dma_start3A_17 = arith.constant 0 : i32
      %dma_start3A_18 = tpu.memref_slice %arg4[%add3A_4, %dma_start3A_17] : memref<32768x128xf32, #tpu.memory_space<hbm>> -> memref<512x128xf32, #tpu.memory_space<hbm>>
      %dma_start3A_19 = arith.constant 0 : i32
      %dma_start3A_20 = tpu.memref_slice %arg4[%add3A_4, %dma_start3A_19] : memref<32768x128xf32, #tpu.memory_space<hbm>> -> memref<512x128xf32, #tpu.memory_space<hbm>>
      tpu.enqueue_dma source(%arg6 : memref<512x128xf32, #tpu.memory_space<vmem>>) target(%dma_start3A_20 : memref<512x128xf32, #tpu.memory_space<hbm>>) target_semaphore(%run_scoped3A : memref<!tpu.dma_semaphore, #tpu.memory_space<semaphore_mem>>)
      %dma_wait3A_21 = arith.constant 0 : i32
      %dma_wait3A_22 = tpu.memref_slice %arg4[%add3A_4, %dma_wait3A_21] : memref<32768x128xf32, #tpu.memory_space<hbm>> -> memref<512x128xf32, #tpu.memory_space<hbm>>
      %dma_wait3A_23 = arith.constant 0 : i32
      %dma_wait3A_24 = tpu.memref_slice %arg4[%add3A_4, %dma_wait3A_23] : memref<32768x128xf32, #tpu.memory_space<hbm>> -> memref<512x128xf32, #tpu.memory_space<hbm>>
      tpu.wait_dma2 semaphore(%run_scoped3A : memref<!tpu.dma_semaphore, #tpu.memory_space<semaphore_mem>>) src(%arg6 : memref<512x128xf32, #tpu.memory_space<vmem>>) dst(%dma_wait3A_24 : memref<512x128xf32, #tpu.memory_space<hbm>>)
      tpu.yield
    }) : () -> ()
    %add3A_9 = arith.constant 512 : i32
    %add3A_10 = arith.addi %mul3A_2, %add3A_9 : i32
    "tpu.region"() ({
      %run_scoped3A = tpu.sem_alloc : memref<!tpu.dma_semaphore, #tpu.memory_space<semaphore_mem>>
      %dma_start3A_17 = tpu.memref_slice %arg2[%add3A_10] : memref<32768xi32, #tpu.memory_space<hbm>> -> memref<512xi32, #tpu.memory_space<hbm>>
      %dma_start3A_18 = tpu.memref_slice %arg2[%add3A_10] : memref<32768xi32, #tpu.memory_space<hbm>> -> memref<512xi32, #tpu.memory_space<hbm>>
      tpu.enqueue_dma source(%dma_start3A_18 : memref<512xi32, #tpu.memory_space<hbm>>) target(%arg5 : memref<512xi32, #tpu.memory_space<vmem>>) target_semaphore(%run_scoped3A : memref<!tpu.dma_semaphore, #tpu.memory_space<semaphore_mem>>)
      %dma_wait3A_19 = tpu.memref_slice %arg2[%add3A_10] : memref<32768xi32, #tpu.memory_space<hbm>> -> memref<512xi32, #tpu.memory_space<hbm>>
      %dma_wait3A_20 = tpu.memref_slice %arg2[%add3A_10] : memref<32768xi32, #tpu.memory_space<hbm>> -> memref<512xi32, #tpu.memory_space<hbm>>
      tpu.wait_dma2 semaphore(%run_scoped3A : memref<!tpu.dma_semaphore, #tpu.memory_space<semaphore_mem>>) src(%dma_wait3A_20 : memref<512xi32, #tpu.memory_space<hbm>>) dst(%arg5 : memref<512xi32, #tpu.memory_space<vmem>>)
      tpu.yield
    }) : () -> ()
    %dma_start3A_11 = arith.constant 0 : i32
    %dma_start3A_12 = arith.constant 0 : i32
    %dma_start3A_13 = tpu.memref_slice %arg3[%dma_start3A_11, %dma_start3A_12] : memref<30000x128xf32, #tpu.memory_space<hbm>> -> memref<30000x128xf32, #tpu.memory_space<hbm>>
    tpu.enqueue_indirect_dma source(%dma_start3A_13 : memref<30000x128xf32, #tpu.memory_space<hbm>>) target(%arg6 : memref<512x128xf32, #tpu.memory_space<vmem>>) offsets(%arg5 : memref<512xi32, #tpu.memory_space<vmem>>) semaphore(%arg7 : memref<!tpu.dma_semaphore, #tpu.memory_space<semaphore_mem>>)
    %dma_wait3A_14 = arith.constant 0 : i32
    %dma_wait3A_15 = arith.constant 0 : i32
    %dma_wait3A_16 = tpu.memref_slice %arg3[%dma_wait3A_14, %dma_wait3A_15] : memref<30000x128xf32, #tpu.memory_space<hbm>> -> memref<30000x128xf32, #tpu.memory_space<hbm>>
    tpu.wait_indirect_dma semaphore(%arg7 : memref<!tpu.dma_semaphore, #tpu.memory_space<semaphore_mem>>) src(%dma_wait3A_16 : memref<30000x128xf32, #tpu.memory_space<hbm>>) dst(%arg6 : memref<512x128xf32, #tpu.memory_space<vmem>>)
    "tpu.region"() ({
      %run_scoped3A = tpu.sem_alloc : memref<!tpu.dma_semaphore, #tpu.memory_space<semaphore_mem>>
      %dma_start3A_17 = arith.constant 0 : i32
      %dma_start3A_18 = tpu.memref_slice %arg4[%add3A_10, %dma_start3A_17] : memref<32768x128xf32, #tpu.memory_space<hbm>> -> memref<512x128xf32, #tpu.memory_space<hbm>>
      %dma_start3A_19 = arith.constant 0 : i32
      %dma_start3A_20 = tpu.memref_slice %arg4[%add3A_10, %dma_start3A_19] : memref<32768x128xf32, #tpu.memory_space<hbm>> -> memref<512x128xf32, #tpu.memory_space<hbm>>
      tpu.enqueue_dma source(%arg6 : memref<512x128xf32, #tpu.memory_space<vmem>>) target(%dma_start3A_20 : memref<512x128xf32, #tpu.memory_space<hbm>>) target_semaphore(%run_scoped3A : memref<!tpu.dma_semaphore, #tpu.memory_space<semaphore_mem>>)
      %dma_wait3A_21 = arith.constant 0 : i32
      %dma_wait3A_22 = tpu.memref_slice %arg4[%add3A_10, %dma_wait3A_21] : memref<32768x128xf32, #tpu.memory_space<hbm>> -> memref<512x128xf32, #tpu.memory_space<hbm>>
      %dma_wait3A_23 = arith.constant 0 : i32
      %dma_wait3A_24 = tpu.memref_slice %arg4[%add3A_10, %dma_wait3A_23] : memref<32768x128xf32, #tpu.memory_space<hbm>> -> memref<512x128xf32, #tpu.memory_space<hbm>>
      tpu.wait_dma2 semaphore(%run_scoped3A : memref<!tpu.dma_semaphore, #tpu.memory_space<semaphore_mem>>) src(%arg6 : memref<512x128xf32, #tpu.memory_space<vmem>>) dst(%dma_wait3A_24 : memref<512x128xf32, #tpu.memory_space<hbm>>)
      tpu.yield
    }) : () -> ()
    return
  }
}

module attributes {stable_mosaic.version = 14 : i64} {
  func.func @_lstm_body(%arg0: memref<32768x128xf32, #tpu.memory_space<vmem>>, %arg1: memref<128x2048xbf16, #tpu.memory_space<vmem>>, %arg2: memref<512x2048xbf16, #tpu.memory_space<vmem>>, %arg3: memref<1x2048xf32, #tpu.memory_space<vmem>>, %arg4: memref<512x1024xf32, #tpu.memory_space<vmem>>, %arg5: memref<1x1024xf32, #tpu.memory_space<vmem>>, %arg6: memref<64x1024xf32, #tpu.memory_space<vmem>>, %arg7: memref<1024x2048xf32, #tpu.memory_space<vmem>>, %arg8: memref<1024x2048xf32, #tpu.memory_space<vmem>>, %arg9: memref<64x512xf32, #tpu.memory_space<vmem>>, %arg10: memref<64x512xf32, #tpu.memory_space<vmem>>) attributes {dimension_semantics = [], scalar_prefetch = 0 : i64, scratch_operands = 4 : i64, tpu.core_type = #tpu.core_type<tc>} {
    %broadcast_in_dim3A = arith.constant 0.000000e+00 : f32
    %broadcast_in_dim3A_0 = vector.broadcast %broadcast_in_dim3A : f32 to vector<64x512xf32>
    %swap3A = arith.constant 0 : index
    %swap3A_1 = arith.constant 0 : index
    %swap3A_2 = vector.load %arg9[%swap3A, %swap3A_1] : memref<64x512xf32, #tpu.memory_space<vmem>>, vector<64x512xf32>
    tpu.vector_store %arg9[%swap3A, %swap3A_1], %broadcast_in_dim3A_0 {strides = array<i32>} : memref<64x512xf32, #tpu.memory_space<vmem>>, vector<64x512xf32>,
    %broadcast_in_dim3A_3 = arith.constant 0.000000e+00 : f32
    %broadcast_in_dim3A_4 = vector.broadcast %broadcast_in_dim3A_3 : f32 to vector<64x512xf32>
    %swap3A_5 = arith.constant 0 : index
    %swap3A_6 = arith.constant 0 : index
    %swap3A_7 = vector.load %arg10[%swap3A_5, %swap3A_6] : memref<64x512xf32, #tpu.memory_space<vmem>>, vector<64x512xf32>
    tpu.vector_store %arg10[%swap3A_5, %swap3A_6], %broadcast_in_dim3A_4 {strides = array<i32>} : memref<64x512xf32, #tpu.memory_space<vmem>>, vector<64x512xf32>,
    %get3A = arith.constant 0 : index
    %get3A_8 = arith.constant 0 : index
    %get3A_9 = vector.load %arg0[%get3A, %get3A_8] : memref<32768x128xf32, #tpu.memory_space<vmem>>, vector<1024x128xf32>
    %convert_element_type3A = arith.truncf %get3A_9 : vector<1024x128xf32> to vector<1024x128xbf16>
    %get3A_10 = arith.constant 0 : index
    %get3A_11 = arith.constant 0 : index
    %get3A_12 = vector.load %arg1[%get3A_10, %get3A_11] : memref<128x2048xbf16, #tpu.memory_space<vmem>>, vector<128x2048xbf16>
    %dot_general3A = arith.constant dense<0.000000e+00> : vector<1024x2048xf32>
    %dot_general3A_13 = tpu.matmul %convert_element_type3A, %get3A_12, %dot_general3A {dimension_numbers = #tpu.dot_dimension_numbers<[1], [0], [0], [1], [0, 0, 1, 1], [], []>, transpose_lhs_hint = false} : vector<1024x128xbf16>, vector<128x2048xbf16>, vector<1024x2048xf32> -> vector<1024x2048xf32>
    %get3A_14 = arith.constant 0 : index
    %get3A_15 = arith.constant 0 : index
    %get3A_16 = vector.load %arg3[%get3A_14, %get3A_15] : memref<1x2048xf32, #tpu.memory_space<vmem>>, vector<1x2048xf32>
    %add3A = vector.broadcast %get3A_16 : vector<1x2048xf32> to vector<1024x2048xf32>
    %add3A_17 = arith.addf %dot_general3A_13, %add3A : vector<1024x2048xf32>
    %swap3A_18 = arith.constant 0 : index
    %swap3A_19 = arith.constant 0 : index
    %swap3A_20 = vector.load %arg7[%swap3A_18, %swap3A_19] : memref<1024x2048xf32, #tpu.memory_space<vmem>>, vector<1024x2048xf32>
    tpu.vector_store %arg7[%swap3A_18, %swap3A_19], %add3A_17 {strides = array<i32>} : memref<1024x2048xf32, #tpu.memory_space<vmem>>, vector<1024x2048xf32>,
    %scan3A = arith.constant 0 : i32
    %scan3A_21 = arith.constant 16 : i32
    %scan3A_22 = arith.addi %scan3A, %scan3A_21 : i32
    %scan3A_23 = arith.constant 1 : i32
    scf.for %scan3A_41 = %scan3A to %scan3A_22 step %scan3A_23  : i32 {
      %mul3A = arith.constant 2 : i32
      %mul3A_42 = arith.muli %mul3A, %scan3A_41 : i32
      %add3A_43 = arith.constant 1 : i32
      %add3A_44 = arith.addi %mul3A_42, %add3A_43 : i32
      %scan3A_45 = arith.constant 0 : i32
      %scan3A_46 = arith.constant 16 : i32
      %scan3A_47 = arith.addi %scan3A_45, %scan3A_46 : i32
      %scan3A_48 = arith.constant 4 : i32
      scf.for %scan3A_58 = %scan3A_45 to %scan3A_47 step %scan3A_48  : i32 {
        %mul3A_59 = arith.constant 64 : i32
        %mul3A_60 = arith.muli %scan3A_58, %mul3A_59 : i32
        %mul3A_61 = arith.constant 16 : i32
        %mul3A_62 = arith.muli %add3A_44, %mul3A_61 : i32
        %add3A_63 = arith.addi %mul3A_62, %scan3A_58 : i32
        %mul3A_64 = arith.constant 64 : i32
        %mul3A_65 = arith.muli %add3A_63, %mul3A_64 : i32
        %get3A_66 = arith.index_cast %mul3A_65 : i32 to index
        %get3A_67 = arith.constant 0 : index
        %get3A_68 = vector.load %arg0[%get3A_66, %get3A_67] : memref<32768x128xf32, #tpu.memory_space<vmem>>, vector<64x128xf32>
        %convert_element_type3A_69 = arith.truncf %get3A_68 : vector<64x128xf32> to vector<64x128xbf16>
        %get3A_70 = arith.constant 0 : index
        %get3A_71 = arith.constant 0 : index
        %get3A_72 = vector.load %arg1[%get3A_70, %get3A_71] : memref<128x2048xbf16, #tpu.memory_space<vmem>>, vector<128x2048xbf16>
        %dot_general3A_73 = arith.constant dense<0.000000e+00> : vector<64x2048xf32>
        %dot_general3A_74 = tpu.matmul %convert_element_type3A_69, %get3A_72, %dot_general3A_73 {dimension_numbers = #tpu.dot_dimension_numbers<[1], [0], [0], [1], [0, 0, 1, 1], [], []>, transpose_lhs_hint = false} : vector<64x128xbf16>, vector<128x2048xbf16>, vector<64x2048xf32> -> vector<64x2048xf32>
        %get3A_75 = arith.constant 0 : index
        %get3A_76 = arith.constant 0 : index
        %get3A_77 = vector.load %arg3[%get3A_75, %get3A_76] : memref<1x2048xf32, #tpu.memory_space<vmem>>, vector<1x2048xf32>
        %add3A_78 = vector.broadcast %get3A_77 : vector<1x2048xf32> to vector<64x2048xf32>
        %add3A_79 = arith.addf %dot_general3A_74, %add3A_78 : vector<64x2048xf32>
        %swap3A_80 = arith.index_cast %mul3A_60 : i32 to index
        %swap3A_81 = arith.constant 0 : index
        %swap3A_82 = vector.load %arg8[%swap3A_80, %swap3A_81] : memref<1024x2048xf32, #tpu.memory_space<vmem>>, vector<64x2048xf32>
        tpu.vector_store %arg8[%swap3A_80, %swap3A_81], %add3A_79 {strides = array<i32>} : memref<1024x2048xf32, #tpu.memory_space<vmem>>, vector<64x2048xf32>,
        %get3A_83 = arith.constant 0 : index
        %get3A_84 = arith.constant 0 : index
        %get3A_85 = vector.load %arg9[%get3A_83, %get3A_84] : memref<64x512xf32, #tpu.memory_space<vmem>>, vector<64x512xf32>
        %convert_element_type3A_86 = arith.truncf %get3A_85 : vector<64x512xf32> to vector<64x512xbf16>
        %get3A_87 = arith.constant 0 : index
        %get3A_88 = arith.constant 0 : index
        %get3A_89 = vector.load %arg10[%get3A_87, %get3A_88] : memref<64x512xf32, #tpu.memory_space<vmem>>, vector<64x512xf32>
        %get3A_90 = arith.index_cast %mul3A_60 : i32 to index
        %get3A_91 = arith.constant 0 : index
        %get3A_92 = vector.load %arg7[%get3A_90, %get3A_91] : memref<1024x2048xf32, #tpu.memory_space<vmem>>, vector<64x512xf32>
        %get3A_93 = arith.constant 0 : index
        %get3A_94 = arith.constant 0 : index
        %get3A_95 = vector.load %arg2[%get3A_93, %get3A_94] : memref<512x2048xbf16, #tpu.memory_space<vmem>>, vector<512x512xbf16>
        %dot_general3A_96 = arith.constant dense<0.000000e+00> : vector<64x512xf32>
        %dot_general3A_97 = tpu.matmul %convert_element_type3A_86, %get3A_95, %dot_general3A_96 {dimension_numbers = #tpu.dot_dimension_numbers<[1], [0], [0], [1], [0, 0, 1, 1], [], []>, transpose_lhs_hint = false} : vector<64x512xbf16>, vector<512x512xbf16>, vector<64x512xf32> -> vector<64x512xf32>
        %add3A_98 = arith.addf %get3A_92, %dot_general3A_97 : vector<64x512xf32>
        %mul3A_99 = arith.constant 5.000000e-01 : f32
        %mul3A_100 = vector.broadcast %mul3A_99 : f32 to vector<64x512xf32>
        %mul3A_101 = arith.mulf %mul3A_100, %add3A_98 : vector<64x512xf32>
        %tanh3A = math.tanh %mul3A_101 : vector<64x512xf32>
        %mul3A_102 = arith.constant 5.000000e-01 : f32
        %mul3A_103 = vector.broadcast %mul3A_102 : f32 to vector<64x512xf32>
        %mul3A_104 = arith.mulf %mul3A_103, %tanh3A : vector<64x512xf32>
        %add3A_105 = arith.constant 5.000000e-01 : f32
        %add3A_106 = vector.broadcast %add3A_105 : f32 to vector<64x512xf32>
        %add3A_107 = arith.addf %mul3A_104, %add3A_106 : vector<64x512xf32>
        %get3A_108 = arith.index_cast %mul3A_60 : i32 to index
        %get3A_109 = arith.constant 512 : index
        %get3A_110 = vector.load %arg7[%get3A_108, %get3A_109] : memref<1024x2048xf32, #tpu.memory_space<vmem>>, vector<64x512xf32>
        %get3A_111 = arith.constant 0 : index
        %get3A_112 = arith.constant 512 : index
        %get3A_113 = vector.load %arg2[%get3A_111, %get3A_112] : memref<512x2048xbf16, #tpu.memory_space<vmem>>, vector<512x512xbf16>
        %dot_general3A_114 = arith.constant dense<0.000000e+00> : vector<64x512xf32>
        %dot_general3A_115 = tpu.matmul %convert_element_type3A_86, %get3A_113, %dot_general3A_114 {dimension_numbers = #tpu.dot_dimension_numbers<[1], [0], [0], [1], [0, 0, 1, 1], [], []>, transpose_lhs_hint = false} : vector<64x512xbf16>, vector<512x512xbf16>, vector<64x512xf32> -> vector<64x512xf32>
        %add3A_116 = arith.addf %get3A_110, %dot_general3A_115 : vector<64x512xf32>
        %mul3A_117 = arith.constant 5.000000e-01 : f32
        %mul3A_118 = vector.broadcast %mul3A_117 : f32 to vector<64x512xf32>
        %mul3A_119 = arith.mulf %mul3A_118, %add3A_116 : vector<64x512xf32>
        %tanh3A_120 = math.tanh %mul3A_119 : vector<64x512xf32>
        %mul3A_121 = arith.constant 5.000000e-01 : f32
        %mul3A_122 = vector.broadcast %mul3A_121 : f32 to vector<64x512xf32>
        %mul3A_123 = arith.mulf %mul3A_122, %tanh3A_120 : vector<64x512xf32>
        %add3A_124 = arith.constant 5.000000e-01 : f32
        %add3A_125 = vector.broadcast %add3A_124 : f32 to vector<64x512xf32>
        %add3A_126 = arith.addf %mul3A_123, %add3A_125 : vector<64x512xf32>
        %get3A_127 = arith.index_cast %mul3A_60 : i32 to index
        %get3A_128 = arith.constant 1024 : index
        %get3A_129 = vector.load %arg7[%get3A_127, %get3A_128] : memref<1024x2048xf32, #tpu.memory_space<vmem>>, vector<64x512xf32>
        %get3A_130 = arith.constant 0 : index
        %get3A_131 = arith.constant 1024 : index
        %get3A_132 = vector.load %arg2[%get3A_130, %get3A_131] : memref<512x2048xbf16, #tpu.memory_space<vmem>>, vector<512x512xbf16>
        %dot_general3A_133 = arith.constant dense<0.000000e+00> : vector<64x512xf32>
        %dot_general3A_134 = tpu.matmul %convert_element_type3A_86, %get3A_132, %dot_general3A_133 {dimension_numbers = #tpu.dot_dimension_numbers<[1], [0], [0], [1], [0, 0, 1, 1], [], []>, transpose_lhs_hint = false} : vector<64x512xbf16>, vector<512x512xbf16>, vector<64x512xf32> -> vector<64x512xf32>
        %add3A_135 = arith.addf %get3A_129, %dot_general3A_134 : vector<64x512xf32>
        %tanh3A_136 = math.tanh %add3A_135 : vector<64x512xf32>
        %get3A_137 = arith.index_cast %mul3A_60 : i32 to index
        %get3A_138 = arith.constant 1536 : index
        %get3A_139 = vector.load %arg7[%get3A_137, %get3A_138] : memref<1024x2048xf32, #tpu.memory_space<vmem>>, vector<64x512xf32>
        %get3A_140 = arith.constant 0 : index
        %get3A_141 = arith.constant 1536 : index
        %get3A_142 = vector.load %arg2[%get3A_140, %get3A_141] : memref<512x2048xbf16, #tpu.memory_space<vmem>>, vector<512x512xbf16>
        %dot_general3A_143 = arith.constant dense<0.000000e+00> : vector<64x512xf32>
        %dot_general3A_144 = tpu.matmul %convert_element_type3A_86, %get3A_142, %dot_general3A_143 {dimension_numbers = #tpu.dot_dimension_numbers<[1], [0], [0], [1], [0, 0, 1, 1], [], []>, transpose_lhs_hint = false} : vector<64x512xbf16>, vector<512x512xbf16>, vector<64x512xf32> -> vector<64x512xf32>
        %add3A_145 = arith.addf %get3A_139, %dot_general3A_144 : vector<64x512xf32>
        %mul3A_146 = arith.constant 5.000000e-01 : f32
        %mul3A_147 = vector.broadcast %mul3A_146 : f32 to vector<64x512xf32>
        %mul3A_148 = arith.mulf %mul3A_147, %add3A_145 : vector<64x512xf32>
        %tanh3A_149 = math.tanh %mul3A_148 : vector<64x512xf32>
        %mul3A_150 = arith.constant 5.000000e-01 : f32
        %mul3A_151 = vector.broadcast %mul3A_150 : f32 to vector<64x512xf32>
        %mul3A_152 = arith.mulf %mul3A_151, %tanh3A_149 : vector<64x512xf32>
        %add3A_153 = arith.constant 5.000000e-01 : f32
        %add3A_154 = vector.broadcast %add3A_153 : f32 to vector<64x512xf32>
        %add3A_155 = arith.addf %mul3A_152, %add3A_154 : vector<64x512xf32>
        %mul3A_156 = arith.mulf %add3A_126, %get3A_89 : vector<64x512xf32>
        %mul3A_157 = arith.mulf %add3A_107, %tanh3A_136 : vector<64x512xf32>
        %add3A_158 = arith.addf %mul3A_156, %mul3A_157 : vector<64x512xf32>
        %tanh3A_159 = math.tanh %add3A_158 : vector<64x512xf32>
        %mul3A_160 = arith.mulf %add3A_155, %tanh3A_159 : vector<64x512xf32>
        %swap3A_161 = arith.constant 0 : index
        %swap3A_162 = arith.constant 0 : index
        %swap3A_163 = vector.load %arg9[%swap3A_161, %swap3A_162] : memref<64x512xf32, #tpu.memory_space<vmem>>, vector<64x512xf32>
        tpu.vector_store %arg9[%swap3A_161, %swap3A_162], %mul3A_160 {strides = array<i32>} : memref<64x512xf32, #tpu.memory_space<vmem>>, vector<64x512xf32>,
        %swap3A_164 = arith.constant 0 : index
        %swap3A_165 = arith.constant 0 : index
        %swap3A_166 = vector.load %arg10[%swap3A_164, %swap3A_165] : memref<64x512xf32, #tpu.memory_space<vmem>>, vector<64x512xf32>
        tpu.vector_store %arg10[%swap3A_164, %swap3A_165], %add3A_158 {strides = array<i32>} : memref<64x512xf32, #tpu.memory_space<vmem>>, vector<64x512xf32>,
        %scan3A_167 = arith.constant 1 : i32
        %scan3A_168 = arith.addi %scan3A_58, %scan3A_167 : i32
        %mul3A_169 = arith.constant 64 : i32
        %mul3A_170 = arith.muli %scan3A_168, %mul3A_169 : i32
        %mul3A_171 = arith.constant 16 : i32
        %mul3A_172 = arith.muli %add3A_44, %mul3A_171 : i32
        %add3A_173 = arith.addi %mul3A_172, %scan3A_168 : i32
        %mul3A_174 = arith.constant 64 : i32
        %mul3A_175 = arith.muli %add3A_173, %mul3A_174 : i32
        %get3A_176 = arith.index_cast %mul3A_175 : i32 to index
        %get3A_177 = arith.constant 0 : index
        %get3A_178 = vector.load %arg0[%get3A_176, %get3A_177] : memref<32768x128xf32, #tpu.memory_space<vmem>>, vector<64x128xf32>
        %convert_element_type3A_179 = arith.truncf %get3A_178 : vector<64x128xf32> to vector<64x128xbf16>
        %get3A_180 = arith.constant 0 : index
        %get3A_181 = arith.constant 0 : index
        %get3A_182 = vector.load %arg1[%get3A_180, %get3A_181] : memref<128x2048xbf16, #tpu.memory_space<vmem>>, vector<128x2048xbf16>
        %dot_general3A_183 = arith.constant dense<0.000000e+00> : vector<64x2048xf32>
        %dot_general3A_184 = tpu.matmul %convert_element_type3A_179, %get3A_182, %dot_general3A_183 {dimension_numbers = #tpu.dot_dimension_numbers<[1], [0], [0], [1], [0, 0, 1, 1], [], []>, transpose_lhs_hint = false} : vector<64x128xbf16>, vector<128x2048xbf16>, vector<64x2048xf32> -> vector<64x2048xf32>
        %get3A_185 = arith.constant 0 : index
        %get3A_186 = arith.constant 0 : index
        %get3A_187 = vector.load %arg3[%get3A_185, %get3A_186] : memref<1x2048xf32, #tpu.memory_space<vmem>>, vector<1x2048xf32>
        %add3A_188 = vector.broadcast %get3A_187 : vector<1x2048xf32> to vector<64x2048xf32>
        %add3A_189 = arith.addf %dot_general3A_184, %add3A_188 : vector<64x2048xf32>
        %swap3A_190 = arith.index_cast %mul3A_170 : i32 to index
        %swap3A_191 = arith.constant 0 : index
        %swap3A_192 = vector.load %arg8[%swap3A_190, %swap3A_191] : memref<1024x2048xf32, #tpu.memory_space<vmem>>, vector<64x2048xf32>
        tpu.vector_store %arg8[%swap3A_190, %swap3A_191], %add3A_189 {strides = array<i32>} : memref<1024x2048xf32, #tpu.memory_space<vmem>>, vector<64x2048xf32>,
        %get3A_193 = arith.constant 0 : index
        %get3A_194 = arith.constant 0 : index
        %get3A_195 = vector.load %arg9[%get3A_193, %get3A_194] : memref<64x512xf32, #tpu.memory_space<vmem>>, vector<64x512xf32>
        %convert_element_type3A_196 = arith.truncf %get3A_195 : vector<64x512xf32> to vector<64x512xbf16>
        %get3A_197 = arith.constant 0 : index
        %get3A_198 = arith.constant 0 : index
        %get3A_199 = vector.load %arg10[%get3A_197, %get3A_198] : memref<64x512xf32, #tpu.memory_space<vmem>>, vector<64x512xf32>
        %get3A_200 = arith.index_cast %mul3A_170 : i32 to index
        %get3A_201 = arith.constant 0 : index
        %get3A_202 = vector.load %arg7[%get3A_200, %get3A_201] : memref<1024x2048xf32, #tpu.memory_space<vmem>>, vector<64x512xf32>
        %get3A_203 = arith.constant 0 : index
        %get3A_204 = arith.constant 0 : index
        %get3A_205 = vector.load %arg2[%get3A_203, %get3A_204] : memref<512x2048xbf16, #tpu.memory_space<vmem>>, vector<512x512xbf16>
        %dot_general3A_206 = arith.constant dense<0.000000e+00> : vector<64x512xf32>
        %dot_general3A_207 = tpu.matmul %convert_element_type3A_196, %get3A_205, %dot_general3A_206 {dimension_numbers = #tpu.dot_dimension_numbers<[1], [0], [0], [1], [0, 0, 1, 1], [], []>, transpose_lhs_hint = false} : vector<64x512xbf16>, vector<512x512xbf16>, vector<64x512xf32> -> vector<64x512xf32>
        %add3A_208 = arith.addf %get3A_202, %dot_general3A_207 : vector<64x512xf32>
        %mul3A_209 = arith.constant 5.000000e-01 : f32
        %mul3A_210 = vector.broadcast %mul3A_209 : f32 to vector<64x512xf32>
        %mul3A_211 = arith.mulf %mul3A_210, %add3A_208 : vector<64x512xf32>
        %tanh3A_212 = math.tanh %mul3A_211 : vector<64x512xf32>
        %mul3A_213 = arith.constant 5.000000e-01 : f32
        %mul3A_214 = vector.broadcast %mul3A_213 : f32 to vector<64x512xf32>
        %mul3A_215 = arith.mulf %mul3A_214, %tanh3A_212 : vector<64x512xf32>
        %add3A_216 = arith.constant 5.000000e-01 : f32
        %add3A_217 = vector.broadcast %add3A_216 : f32 to vector<64x512xf32>
        %add3A_218 = arith.addf %mul3A_215, %add3A_217 : vector<64x512xf32>
        %get3A_219 = arith.index_cast %mul3A_170 : i32 to index
        %get3A_220 = arith.constant 512 : index
        %get3A_221 = vector.load %arg7[%get3A_219, %get3A_220] : memref<1024x2048xf32, #tpu.memory_space<vmem>>, vector<64x512xf32>
        %get3A_222 = arith.constant 0 : index
        %get3A_223 = arith.constant 512 : index
        %get3A_224 = vector.load %arg2[%get3A_222, %get3A_223] : memref<512x2048xbf16, #tpu.memory_space<vmem>>, vector<512x512xbf16>
        %dot_general3A_225 = arith.constant dense<0.000000e+00> : vector<64x512xf32>
        %dot_general3A_226 = tpu.matmul %convert_element_type3A_196, %get3A_224, %dot_general3A_225 {dimension_numbers = #tpu.dot_dimension_numbers<[1], [0], [0], [1], [0, 0, 1, 1], [], []>, transpose_lhs_hint = false} : vector<64x512xbf16>, vector<512x512xbf16>, vector<64x512xf32> -> vector<64x512xf32>
        %add3A_227 = arith.addf %get3A_221, %dot_general3A_226 : vector<64x512xf32>
        %mul3A_228 = arith.constant 5.000000e-01 : f32
        %mul3A_229 = vector.broadcast %mul3A_228 : f32 to vector<64x512xf32>
        %mul3A_230 = arith.mulf %mul3A_229, %add3A_227 : vector<64x512xf32>
        %tanh3A_231 = math.tanh %mul3A_230 : vector<64x512xf32>
        %mul3A_232 = arith.constant 5.000000e-01 : f32
        %mul3A_233 = vector.broadcast %mul3A_232 : f32 to vector<64x512xf32>
        %mul3A_234 = arith.mulf %mul3A_233, %tanh3A_231 : vector<64x512xf32>
        %add3A_235 = arith.constant 5.000000e-01 : f32
        %add3A_236 = vector.broadcast %add3A_235 : f32 to vector<64x512xf32>
        %add3A_237 = arith.addf %mul3A_234, %add3A_236 : vector<64x512xf32>
        %get3A_238 = arith.index_cast %mul3A_170 : i32 to index
        %get3A_239 = arith.constant 1024 : index
        %get3A_240 = vector.load %arg7[%get3A_238, %get3A_239] : memref<1024x2048xf32, #tpu.memory_space<vmem>>, vector<64x512xf32>
        %get3A_241 = arith.constant 0 : index
        %get3A_242 = arith.constant 1024 : index
        %get3A_243 = vector.load %arg2[%get3A_241, %get3A_242] : memref<512x2048xbf16, #tpu.memory_space<vmem>>, vector<512x512xbf16>
        %dot_general3A_244 = arith.constant dense<0.000000e+00> : vector<64x512xf32>
        %dot_general3A_245 = tpu.matmul %convert_element_type3A_196, %get3A_243, %dot_general3A_244 {dimension_numbers = #tpu.dot_dimension_numbers<[1], [0], [0], [1], [0, 0, 1, 1], [], []>, transpose_lhs_hint = false} : vector<64x512xbf16>, vector<512x512xbf16>, vector<64x512xf32> -> vector<64x512xf32>
        %add3A_246 = arith.addf %get3A_240, %dot_general3A_245 : vector<64x512xf32>
        %tanh3A_247 = math.tanh %add3A_246 : vector<64x512xf32>
        %get3A_248 = arith.index_cast %mul3A_170 : i32 to index
        %get3A_249 = arith.constant 1536 : index
        %get3A_250 = vector.load %arg7[%get3A_248, %get3A_249] : memref<1024x2048xf32, #tpu.memory_space<vmem>>, vector<64x512xf32>
        %get3A_251 = arith.constant 0 : index
        %get3A_252 = arith.constant 1536 : index
        %get3A_253 = vector.load %arg2[%get3A_251, %get3A_252] : memref<512x2048xbf16, #tpu.memory_space<vmem>>, vector<512x512xbf16>
        %dot_general3A_254 = arith.constant dense<0.000000e+00> : vector<64x512xf32>
        %dot_general3A_255 = tpu.matmul %convert_element_type3A_196, %get3A_253, %dot_general3A_254 {dimension_numbers = #tpu.dot_dimension_numbers<[1], [0], [0], [1], [0, 0, 1, 1], [], []>, transpose_lhs_hint = false} : vector<64x512xbf16>, vector<512x512xbf16>, vector<64x512xf32> -> vector<64x512xf32>
        %add3A_256 = arith.addf %get3A_250, %dot_general3A_255 : vector<64x512xf32>
        %mul3A_257 = arith.constant 5.000000e-01 : f32
        %mul3A_258 = vector.broadcast %mul3A_257 : f32 to vector<64x512xf32>
        %mul3A_259 = arith.mulf %mul3A_258, %add3A_256 : vector<64x512xf32>
        %tanh3A_260 = math.tanh %mul3A_259 : vector<64x512xf32>
        %mul3A_261 = arith.constant 5.000000e-01 : f32
        %mul3A_262 = vector.broadcast %mul3A_261 : f32 to vector<64x512xf32>
        %mul3A_263 = arith.mulf %mul3A_262, %tanh3A_260 : vector<64x512xf32>
        %add3A_264 = arith.constant 5.000000e-01 : f32
        %add3A_265 = vector.broadcast %add3A_264 : f32 to vector<64x512xf32>
        %add3A_266 = arith.addf %mul3A_263, %add3A_265 : vector<64x512xf32>
        %mul3A_267 = arith.mulf %add3A_237, %get3A_199 : vector<64x512xf32>
        %mul3A_268 = arith.mulf %add3A_218, %tanh3A_247 : vector<64x512xf32>
        %add3A_269 = arith.addf %mul3A_267, %mul3A_268 : vector<64x512xf32>
        %tanh3A_270 = math.tanh %add3A_269 : vector<64x512xf32>
        %mul3A_271 = arith.mulf %add3A_266, %tanh3A_270 : vector<64x512xf32>
        %swap3A_272 = arith.constant 0 : index
        %swap3A_273 = arith.constant 0 : index
        %swap3A_274 = vector.load %arg9[%swap3A_272, %swap3A_273] : memref<64x512xf32, #tpu.memory_space<vmem>>, vector<64x512xf32>
        tpu.vector_store %arg9[%swap3A_272, %swap3A_273], %mul3A_271 {strides = array<i32>} : memref<64x512xf32, #tpu.memory_space<vmem>>, vector<64x512xf32>,
        %swap3A_275 = arith.constant 0 : index
        %swap3A_276 = arith.constant 0 : index
        %swap3A_277 = vector.load %arg10[%swap3A_275, %swap3A_276] : memref<64x512xf32, #tpu.memory_space<vmem>>, vector<64x512xf32>
        tpu.vector_store %arg10[%swap3A_275, %swap3A_276], %add3A_269 {strides = array<i32>} : memref<64x512xf32, #tpu.memory_space<vmem>>, vector<64x512xf32>,
        %scan3A_278 = arith.constant 2 : i32
        %scan3A_279 = arith.addi %scan3A_58, %scan3A_278 : i32
        %mul3A_280 = arith.constant 64 : i32
        %mul3A_281 = arith.muli %scan3A_279, %mul3A_280 : i32
        %mul3A_282 = arith.constant 16 : i32
        %mul3A_283 = arith.muli %add3A_44, %mul3A_282 : i32
        %add3A_284 = arith.addi %mul3A_283, %scan3A_279 : i32
        %mul3A_285 = arith.constant 64 : i32
        %mul3A_286 = arith.muli %add3A_284, %mul3A_285 : i32
        %get3A_287 = arith.index_cast %mul3A_286 : i32 to index
        %get3A_288 = arith.constant 0 : index
        %get3A_289 = vector.load %arg0[%get3A_287, %get3A_288] : memref<32768x128xf32, #tpu.memory_space<vmem>>, vector<64x128xf32>
        %convert_element_type3A_290 = arith.truncf %get3A_289 : vector<64x128xf32> to vector<64x128xbf16>
        %get3A_291 = arith.constant 0 : index
        %get3A_292 = arith.constant 0 : index
        %get3A_293 = vector.load %arg1[%get3A_291, %get3A_292] : memref<128x2048xbf16, #tpu.memory_space<vmem>>, vector<128x2048xbf16>
        %dot_general3A_294 = arith.constant dense<0.000000e+00> : vector<64x2048xf32>
        %dot_general3A_295 = tpu.matmul %convert_element_type3A_290, %get3A_293, %dot_general3A_294 {dimension_numbers = #tpu.dot_dimension_numbers<[1], [0], [0], [1], [0, 0, 1, 1], [], []>, transpose_lhs_hint = false} : vector<64x128xbf16>, vector<128x2048xbf16>, vector<64x2048xf32> -> vector<64x2048xf32>
        %get3A_296 = arith.constant 0 : index
        %get3A_297 = arith.constant 0 : index
        %get3A_298 = vector.load %arg3[%get3A_296, %get3A_297] : memref<1x2048xf32, #tpu.memory_space<vmem>>, vector<1x2048xf32>
        %add3A_299 = vector.broadcast %get3A_298 : vector<1x2048xf32> to vector<64x2048xf32>
        %add3A_300 = arith.addf %dot_general3A_295, %add3A_299 : vector<64x2048xf32>
        %swap3A_301 = arith.index_cast %mul3A_281 : i32 to index
        %swap3A_302 = arith.constant 0 : index
        %swap3A_303 = vector.load %arg8[%swap3A_301, %swap3A_302] : memref<1024x2048xf32, #tpu.memory_space<vmem>>, vector<64x2048xf32>
        tpu.vector_store %arg8[%swap3A_301, %swap3A_302], %add3A_300 {strides = array<i32>} : memref<1024x2048xf32, #tpu.memory_space<vmem>>, vector<64x2048xf32>,
        %get3A_304 = arith.constant 0 : index
        %get3A_305 = arith.constant 0 : index
        %get3A_306 = vector.load %arg9[%get3A_304, %get3A_305] : memref<64x512xf32, #tpu.memory_space<vmem>>, vector<64x512xf32>
        %convert_element_type3A_307 = arith.truncf %get3A_306 : vector<64x512xf32> to vector<64x512xbf16>
        %get3A_308 = arith.constant 0 : index
        %get3A_309 = arith.constant 0 : index
        %get3A_310 = vector.load %arg10[%get3A_308, %get3A_309] : memref<64x512xf32, #tpu.memory_space<vmem>>, vector<64x512xf32>
        %get3A_311 = arith.index_cast %mul3A_281 : i32 to index
        %get3A_312 = arith.constant 0 : index
        %get3A_313 = vector.load %arg7[%get3A_311, %get3A_312] : memref<1024x2048xf32, #tpu.memory_space<vmem>>, vector<64x512xf32>
        %get3A_314 = arith.constant 0 : index
        %get3A_315 = arith.constant 0 : index
        %get3A_316 = vector.load %arg2[%get3A_314, %get3A_315] : memref<512x2048xbf16, #tpu.memory_space<vmem>>, vector<512x512xbf16>
        %dot_general3A_317 = arith.constant dense<0.000000e+00> : vector<64x512xf32>
        %dot_general3A_318 = tpu.matmul %convert_element_type3A_307, %get3A_316, %dot_general3A_317 {dimension_numbers = #tpu.dot_dimension_numbers<[1], [0], [0], [1], [0, 0, 1, 1], [], []>, transpose_lhs_hint = false} : vector<64x512xbf16>, vector<512x512xbf16>, vector<64x512xf32> -> vector<64x512xf32>
        %add3A_319 = arith.addf %get3A_313, %dot_general3A_318 : vector<64x512xf32>
        %mul3A_320 = arith.constant 5.000000e-01 : f32
        %mul3A_321 = vector.broadcast %mul3A_320 : f32 to vector<64x512xf32>
        %mul3A_322 = arith.mulf %mul3A_321, %add3A_319 : vector<64x512xf32>
        %tanh3A_323 = math.tanh %mul3A_322 : vector<64x512xf32>
        %mul3A_324 = arith.constant 5.000000e-01 : f32
        %mul3A_325 = vector.broadcast %mul3A_324 : f32 to vector<64x512xf32>
        %mul3A_326 = arith.mulf %mul3A_325, %tanh3A_323 : vector<64x512xf32>
        %add3A_327 = arith.constant 5.000000e-01 : f32
        %add3A_328 = vector.broadcast %add3A_327 : f32 to vector<64x512xf32>
        %add3A_329 = arith.addf %mul3A_326, %add3A_328 : vector<64x512xf32>
        %get3A_330 = arith.index_cast %mul3A_281 : i32 to index
        %get3A_331 = arith.constant 512 : index
        %get3A_332 = vector.load %arg7[%get3A_330, %get3A_331] : memref<1024x2048xf32, #tpu.memory_space<vmem>>, vector<64x512xf32>
        %get3A_333 = arith.constant 0 : index
        %get3A_334 = arith.constant 512 : index
        %get3A_335 = vector.load %arg2[%get3A_333, %get3A_334] : memref<512x2048xbf16, #tpu.memory_space<vmem>>, vector<512x512xbf16>
        %dot_general3A_336 = arith.constant dense<0.000000e+00> : vector<64x512xf32>
        %dot_general3A_337 = tpu.matmul %convert_element_type3A_307, %get3A_335, %dot_general3A_336 {dimension_numbers = #tpu.dot_dimension_numbers<[1], [0], [0], [1], [0, 0, 1, 1], [], []>, transpose_lhs_hint = false} : vector<64x512xbf16>, vector<512x512xbf16>, vector<64x512xf32> -> vector<64x512xf32>
        %add3A_338 = arith.addf %get3A_332, %dot_general3A_337 : vector<64x512xf32>
        %mul3A_339 = arith.constant 5.000000e-01 : f32
        %mul3A_340 = vector.broadcast %mul3A_339 : f32 to vector<64x512xf32>
        %mul3A_341 = arith.mulf %mul3A_340, %add3A_338 : vector<64x512xf32>
        %tanh3A_342 = math.tanh %mul3A_341 : vector<64x512xf32>
        %mul3A_343 = arith.constant 5.000000e-01 : f32
        %mul3A_344 = vector.broadcast %mul3A_343 : f32 to vector<64x512xf32>
        %mul3A_345 = arith.mulf %mul3A_344, %tanh3A_342 : vector<64x512xf32>
        %add3A_346 = arith.constant 5.000000e-01 : f32
        %add3A_347 = vector.broadcast %add3A_346 : f32 to vector<64x512xf32>
        %add3A_348 = arith.addf %mul3A_345, %add3A_347 : vector<64x512xf32>
        %get3A_349 = arith.index_cast %mul3A_281 : i32 to index
        %get3A_350 = arith.constant 1024 : index
        %get3A_351 = vector.load %arg7[%get3A_349, %get3A_350] : memref<1024x2048xf32, #tpu.memory_space<vmem>>, vector<64x512xf32>
        %get3A_352 = arith.constant 0 : index
        %get3A_353 = arith.constant 1024 : index
        %get3A_354 = vector.load %arg2[%get3A_352, %get3A_353] : memref<512x2048xbf16, #tpu.memory_space<vmem>>, vector<512x512xbf16>
        %dot_general3A_355 = arith.constant dense<0.000000e+00> : vector<64x512xf32>
        %dot_general3A_356 = tpu.matmul %convert_element_type3A_307, %get3A_354, %dot_general3A_355 {dimension_numbers = #tpu.dot_dimension_numbers<[1], [0], [0], [1], [0, 0, 1, 1], [], []>, transpose_lhs_hint = false} : vector<64x512xbf16>, vector<512x512xbf16>, vector<64x512xf32> -> vector<64x512xf32>
        %add3A_357 = arith.addf %get3A_351, %dot_general3A_356 : vector<64x512xf32>
        %tanh3A_358 = math.tanh %add3A_357 : vector<64x512xf32>
        %get3A_359 = arith.index_cast %mul3A_281 : i32 to index
        %get3A_360 = arith.constant 1536 : index
        %get3A_361 = vector.load %arg7[%get3A_359, %get3A_360] : memref<1024x2048xf32, #tpu.memory_space<vmem>>, vector<64x512xf32>
        %get3A_362 = arith.constant 0 : index
        %get3A_363 = arith.constant 1536 : index
        %get3A_364 = vector.load %arg2[%get3A_362, %get3A_363] : memref<512x2048xbf16, #tpu.memory_space<vmem>>, vector<512x512xbf16>
        %dot_general3A_365 = arith.constant dense<0.000000e+00> : vector<64x512xf32>
        %dot_general3A_366 = tpu.matmul %convert_element_type3A_307, %get3A_364, %dot_general3A_365 {dimension_numbers = #tpu.dot_dimension_numbers<[1], [0], [0], [1], [0, 0, 1, 1], [], []>, transpose_lhs_hint = false} : vector<64x512xbf16>, vector<512x512xbf16>, vector<64x512xf32> -> vector<64x512xf32>
        %add3A_367 = arith.addf %get3A_361, %dot_general3A_366 : vector<64x512xf32>
        %mul3A_368 = arith.constant 5.000000e-01 : f32
        %mul3A_369 = vector.broadcast %mul3A_368 : f32 to vector<64x512xf32>
        %mul3A_370 = arith.mulf %mul3A_369, %add3A_367 : vector<64x512xf32>
        %tanh3A_371 = math.tanh %mul3A_370 : vector<64x512xf32>
        %mul3A_372 = arith.constant 5.000000e-01 : f32
        %mul3A_373 = vector.broadcast %mul3A_372 : f32 to vector<64x512xf32>
        %mul3A_374 = arith.mulf %mul3A_373, %tanh3A_371 : vector<64x512xf32>
        %add3A_375 = arith.constant 5.000000e-01 : f32
        %add3A_376 = vector.broadcast %add3A_375 : f32 to vector<64x512xf32>
        %add3A_377 = arith.addf %mul3A_374, %add3A_376 : vector<64x512xf32>
        %mul3A_378 = arith.mulf %add3A_348, %get3A_310 : vector<64x512xf32>
        %mul3A_379 = arith.mulf %add3A_329, %tanh3A_358 : vector<64x512xf32>
        %add3A_380 = arith.addf %mul3A_378, %mul3A_379 : vector<64x512xf32>
        %tanh3A_381 = math.tanh %add3A_380 : vector<64x512xf32>
        %mul3A_382 = arith.mulf %add3A_377, %tanh3A_381 : vector<64x512xf32>
        %swap3A_383 = arith.constant 0 : index
        %swap3A_384 = arith.constant 0 : index
        %swap3A_385 = vector.load %arg9[%swap3A_383, %swap3A_384] : memref<64x512xf32, #tpu.memory_space<vmem>>, vector<64x512xf32>
        tpu.vector_store %arg9[%swap3A_383, %swap3A_384], %mul3A_382 {strides = array<i32>} : memref<64x512xf32, #tpu.memory_space<vmem>>, vector<64x512xf32>,
        %swap3A_386 = arith.constant 0 : index
        %swap3A_387 = arith.constant 0 : index
        %swap3A_388 = vector.load %arg10[%swap3A_386, %swap3A_387] : memref<64x512xf32, #tpu.memory_space<vmem>>, vector<64x512xf32>
        tpu.vector_store %arg10[%swap3A_386, %swap3A_387], %add3A_380 {strides = array<i32>} : memref<64x512xf32, #tpu.memory_space<vmem>>, vector<64x512xf32>,
        %scan3A_389 = arith.constant 3 : i32
        %scan3A_390 = arith.addi %scan3A_58, %scan3A_389 : i32
        %mul3A_391 = arith.constant 64 : i32
        %mul3A_392 = arith.muli %scan3A_390, %mul3A_391 : i32
        %mul3A_393 = arith.constant 16 : i32
        %mul3A_394 = arith.muli %add3A_44, %mul3A_393 : i32
        %add3A_395 = arith.addi %mul3A_394, %scan3A_390 : i32
        %mul3A_396 = arith.constant 64 : i32
        %mul3A_397 = arith.muli %add3A_395, %mul3A_396 : i32
        %get3A_398 = arith.index_cast %mul3A_397 : i32 to index
        %get3A_399 = arith.constant 0 : index
        %get3A_400 = vector.load %arg0[%get3A_398, %get3A_399] : memref<32768x128xf32, #tpu.memory_space<vmem>>, vector<64x128xf32>
        %convert_element_type3A_401 = arith.truncf %get3A_400 : vector<64x128xf32> to vector<64x128xbf16>
        %get3A_402 = arith.constant 0 : index
        %get3A_403 = arith.constant 0 : index
        %get3A_404 = vector.load %arg1[%get3A_402, %get3A_403] : memref<128x2048xbf16, #tpu.memory_space<vmem>>, vector<128x2048xbf16>
        %dot_general3A_405 = arith.constant dense<0.000000e+00> : vector<64x2048xf32>
        %dot_general3A_406 = tpu.matmul %convert_element_type3A_401, %get3A_404, %dot_general3A_405 {dimension_numbers = #tpu.dot_dimension_numbers<[1], [0], [0], [1], [0, 0, 1, 1], [], []>, transpose_lhs_hint = false} : vector<64x128xbf16>, vector<128x2048xbf16>, vector<64x2048xf32> -> vector<64x2048xf32>
        %get3A_407 = arith.constant 0 : index
        %get3A_408 = arith.constant 0 : index
        %get3A_409 = vector.load %arg3[%get3A_407, %get3A_408] : memref<1x2048xf32, #tpu.memory_space<vmem>>, vector<1x2048xf32>
        %add3A_410 = vector.broadcast %get3A_409 : vector<1x2048xf32> to vector<64x2048xf32>
        %add3A_411 = arith.addf %dot_general3A_406, %add3A_410 : vector<64x2048xf32>
        %swap3A_412 = arith.index_cast %mul3A_392 : i32 to index
        %swap3A_413 = arith.constant 0 : index
        %swap3A_414 = vector.load %arg8[%swap3A_412, %swap3A_413] : memref<1024x2048xf32, #tpu.memory_space<vmem>>, vector<64x2048xf32>
        tpu.vector_store %arg8[%swap3A_412, %swap3A_413], %add3A_411 {strides = array<i32>} : memref<1024x2048xf32, #tpu.memory_space<vmem>>, vector<64x2048xf32>,
        %get3A_415 = arith.constant 0 : index
        %get3A_416 = arith.constant 0 : index
        %get3A_417 = vector.load %arg9[%get3A_415, %get3A_416] : memref<64x512xf32, #tpu.memory_space<vmem>>, vector<64x512xf32>
        %convert_element_type3A_418 = arith.truncf %get3A_417 : vector<64x512xf32> to vector<64x512xbf16>
        %get3A_419 = arith.constant 0 : index
        %get3A_420 = arith.constant 0 : index
        %get3A_421 = vector.load %arg10[%get3A_419, %get3A_420] : memref<64x512xf32, #tpu.memory_space<vmem>>, vector<64x512xf32>
        %get3A_422 = arith.index_cast %mul3A_392 : i32 to index
        %get3A_423 = arith.constant 0 : index
        %get3A_424 = vector.load %arg7[%get3A_422, %get3A_423] : memref<1024x2048xf32, #tpu.memory_space<vmem>>, vector<64x512xf32>
        %get3A_425 = arith.constant 0 : index
        %get3A_426 = arith.constant 0 : index
        %get3A_427 = vector.load %arg2[%get3A_425, %get3A_426] : memref<512x2048xbf16, #tpu.memory_space<vmem>>, vector<512x512xbf16>
        %dot_general3A_428 = arith.constant dense<0.000000e+00> : vector<64x512xf32>
        %dot_general3A_429 = tpu.matmul %convert_element_type3A_418, %get3A_427, %dot_general3A_428 {dimension_numbers = #tpu.dot_dimension_numbers<[1], [0], [0], [1], [0, 0, 1, 1], [], []>, transpose_lhs_hint = false} : vector<64x512xbf16>, vector<512x512xbf16>, vector<64x512xf32> -> vector<64x512xf32>
        %add3A_430 = arith.addf %get3A_424, %dot_general3A_429 : vector<64x512xf32>
        %mul3A_431 = arith.constant 5.000000e-01 : f32
        %mul3A_432 = vector.broadcast %mul3A_431 : f32 to vector<64x512xf32>
        %mul3A_433 = arith.mulf %mul3A_432, %add3A_430 : vector<64x512xf32>
        %tanh3A_434 = math.tanh %mul3A_433 : vector<64x512xf32>
        %mul3A_435 = arith.constant 5.000000e-01 : f32
        %mul3A_436 = vector.broadcast %mul3A_435 : f32 to vector<64x512xf32>
        %mul3A_437 = arith.mulf %mul3A_436, %tanh3A_434 : vector<64x512xf32>
        %add3A_438 = arith.constant 5.000000e-01 : f32
        %add3A_439 = vector.broadcast %add3A_438 : f32 to vector<64x512xf32>
        %add3A_440 = arith.addf %mul3A_437, %add3A_439 : vector<64x512xf32>
        %get3A_441 = arith.index_cast %mul3A_392 : i32 to index
        %get3A_442 = arith.constant 512 : index
        %get3A_443 = vector.load %arg7[%get3A_441, %get3A_442] : memref<1024x2048xf32, #tpu.memory_space<vmem>>, vector<64x512xf32>
        %get3A_444 = arith.constant 0 : index
        %get3A_445 = arith.constant 512 : index
        %get3A_446 = vector.load %arg2[%get3A_444, %get3A_445] : memref<512x2048xbf16, #tpu.memory_space<vmem>>, vector<512x512xbf16>
        %dot_general3A_447 = arith.constant dense<0.000000e+00> : vector<64x512xf32>
        %dot_general3A_448 = tpu.matmul %convert_element_type3A_418, %get3A_446, %dot_general3A_447 {dimension_numbers = #tpu.dot_dimension_numbers<[1], [0], [0], [1], [0, 0, 1, 1], [], []>, transpose_lhs_hint = false} : vector<64x512xbf16>, vector<512x512xbf16>, vector<64x512xf32> -> vector<64x512xf32>
        %add3A_449 = arith.addf %get3A_443, %dot_general3A_448 : vector<64x512xf32>
        %mul3A_450 = arith.constant 5.000000e-01 : f32
        %mul3A_451 = vector.broadcast %mul3A_450 : f32 to vector<64x512xf32>
        %mul3A_452 = arith.mulf %mul3A_451, %add3A_449 : vector<64x512xf32>
        %tanh3A_453 = math.tanh %mul3A_452 : vector<64x512xf32>
        %mul3A_454 = arith.constant 5.000000e-01 : f32
        %mul3A_455 = vector.broadcast %mul3A_454 : f32 to vector<64x512xf32>
        %mul3A_456 = arith.mulf %mul3A_455, %tanh3A_453 : vector<64x512xf32>
        %add3A_457 = arith.constant 5.000000e-01 : f32
        %add3A_458 = vector.broadcast %add3A_457 : f32 to vector<64x512xf32>
        %add3A_459 = arith.addf %mul3A_456, %add3A_458 : vector<64x512xf32>
        %get3A_460 = arith.index_cast %mul3A_392 : i32 to index
        %get3A_461 = arith.constant 1024 : index
        %get3A_462 = vector.load %arg7[%get3A_460, %get3A_461] : memref<1024x2048xf32, #tpu.memory_space<vmem>>, vector<64x512xf32>
        %get3A_463 = arith.constant 0 : index
        %get3A_464 = arith.constant 1024 : index
        %get3A_465 = vector.load %arg2[%get3A_463, %get3A_464] : memref<512x2048xbf16, #tpu.memory_space<vmem>>, vector<512x512xbf16>
        %dot_general3A_466 = arith.constant dense<0.000000e+00> : vector<64x512xf32>
        %dot_general3A_467 = tpu.matmul %convert_element_type3A_418, %get3A_465, %dot_general3A_466 {dimension_numbers = #tpu.dot_dimension_numbers<[1], [0], [0], [1], [0, 0, 1, 1], [], []>, transpose_lhs_hint = false} : vector<64x512xbf16>, vector<512x512xbf16>, vector<64x512xf32> -> vector<64x512xf32>
        %add3A_468 = arith.addf %get3A_462, %dot_general3A_467 : vector<64x512xf32>
        %tanh3A_469 = math.tanh %add3A_468 : vector<64x512xf32>
        %get3A_470 = arith.index_cast %mul3A_392 : i32 to index
        %get3A_471 = arith.constant 1536 : index
        %get3A_472 = vector.load %arg7[%get3A_470, %get3A_471] : memref<1024x2048xf32, #tpu.memory_space<vmem>>, vector<64x512xf32>
        %get3A_473 = arith.constant 0 : index
        %get3A_474 = arith.constant 1536 : index
        %get3A_475 = vector.load %arg2[%get3A_473, %get3A_474] : memref<512x2048xbf16, #tpu.memory_space<vmem>>, vector<512x512xbf16>
        %dot_general3A_476 = arith.constant dense<0.000000e+00> : vector<64x512xf32>
        %dot_general3A_477 = tpu.matmul %convert_element_type3A_418, %get3A_475, %dot_general3A_476 {dimension_numbers = #tpu.dot_dimension_numbers<[1], [0], [0], [1], [0, 0, 1, 1], [], []>, transpose_lhs_hint = false} : vector<64x512xbf16>, vector<512x512xbf16>, vector<64x512xf32> -> vector<64x512xf32>
        %add3A_478 = arith.addf %get3A_472, %dot_general3A_477 : vector<64x512xf32>
        %mul3A_479 = arith.constant 5.000000e-01 : f32
        %mul3A_480 = vector.broadcast %mul3A_479 : f32 to vector<64x512xf32>
        %mul3A_481 = arith.mulf %mul3A_480, %add3A_478 : vector<64x512xf32>
        %tanh3A_482 = math.tanh %mul3A_481 : vector<64x512xf32>
        %mul3A_483 = arith.constant 5.000000e-01 : f32
        %mul3A_484 = vector.broadcast %mul3A_483 : f32 to vector<64x512xf32>
        %mul3A_485 = arith.mulf %mul3A_484, %tanh3A_482 : vector<64x512xf32>
        %add3A_486 = arith.constant 5.000000e-01 : f32
        %add3A_487 = vector.broadcast %add3A_486 : f32 to vector<64x512xf32>
        %add3A_488 = arith.addf %mul3A_485, %add3A_487 : vector<64x512xf32>
        %mul3A_489 = arith.mulf %add3A_459, %get3A_421 : vector<64x512xf32>
        %mul3A_490 = arith.mulf %add3A_440, %tanh3A_469 : vector<64x512xf32>
        %add3A_491 = arith.addf %mul3A_489, %mul3A_490 : vector<64x512xf32>
        %tanh3A_492 = math.tanh %add3A_491 : vector<64x512xf32>
        %mul3A_493 = arith.mulf %add3A_488, %tanh3A_492 : vector<64x512xf32>
        %swap3A_494 = arith.constant 0 : index
        %swap3A_495 = arith.constant 0 : index
        %swap3A_496 = vector.load %arg9[%swap3A_494, %swap3A_495] : memref<64x512xf32, #tpu.memory_space<vmem>>, vector<64x512xf32>
        tpu.vector_store %arg9[%swap3A_494, %swap3A_495], %mul3A_493 {strides = array<i32>} : memref<64x512xf32, #tpu.memory_space<vmem>>, vector<64x512xf32>,
        %swap3A_497 = arith.constant 0 : index
        %swap3A_498 = arith.constant 0 : index
        %swap3A_499 = vector.load %arg10[%swap3A_497, %swap3A_498] : memref<64x512xf32, #tpu.memory_space<vmem>>, vector<64x512xf32>
        tpu.vector_store %arg10[%swap3A_497, %swap3A_498], %add3A_491 {strides = array<i32>} : memref<64x512xf32, #tpu.memory_space<vmem>>, vector<64x512xf32>,
      }
      %scan3A_49 = arith.constant 16 : i32
      %add3A_50 = arith.constant 1 : i32
      %add3A_51 = arith.addi %add3A_44, %add3A_50 : i32
      %rem3A = arith.constant 32 : i32
      %rem3A_52 = arith.remsi %add3A_51, %rem3A : i32
      %scan3A_53 = arith.constant 0 : i32
      %scan3A_54 = arith.constant 16 : i32
      %scan3A_55 = arith.addi %scan3A_53, %scan3A_54 : i32
      %scan3A_56 = arith.constant 4 : i32
      scf.for %scan3A_58 = %scan3A_53 to %scan3A_55 step %scan3A_56  : i32 {
        %mul3A_59 = arith.constant 64 : i32
        %mul3A_60 = arith.muli %scan3A_58, %mul3A_59 : i32
        %mul3A_61 = arith.constant 16 : i32
        %mul3A_62 = arith.muli %rem3A_52, %mul3A_61 : i32
        %add3A_63 = arith.addi %mul3A_62, %scan3A_58 : i32
        %mul3A_64 = arith.constant 64 : i32
        %mul3A_65 = arith.muli %add3A_63, %mul3A_64 : i32
        %get3A_66 = arith.index_cast %mul3A_65 : i32 to index
        %get3A_67 = arith.constant 0 : index
        %get3A_68 = vector.load %arg0[%get3A_66, %get3A_67] : memref<32768x128xf32, #tpu.memory_space<vmem>>, vector<64x128xf32>
        %convert_element_type3A_69 = arith.truncf %get3A_68 : vector<64x128xf32> to vector<64x128xbf16>
        %get3A_70 = arith.constant 0 : index
        %get3A_71 = arith.constant 0 : index
        %get3A_72 = vector.load %arg1[%get3A_70, %get3A_71] : memref<128x2048xbf16, #tpu.memory_space<vmem>>, vector<128x2048xbf16>
        %dot_general3A_73 = arith.constant dense<0.000000e+00> : vector<64x2048xf32>
        %dot_general3A_74 = tpu.matmul %convert_element_type3A_69, %get3A_72, %dot_general3A_73 {dimension_numbers = #tpu.dot_dimension_numbers<[1], [0], [0], [1], [0, 0, 1, 1], [], []>, transpose_lhs_hint = false} : vector<64x128xbf16>, vector<128x2048xbf16>, vector<64x2048xf32> -> vector<64x2048xf32>
        %get3A_75 = arith.constant 0 : index
        %get3A_76 = arith.constant 0 : index
        %get3A_77 = vector.load %arg3[%get3A_75, %get3A_76] : memref<1x2048xf32, #tpu.memory_space<vmem>>, vector<1x2048xf32>
        %add3A_78 = vector.broadcast %get3A_77 : vector<1x2048xf32> to vector<64x2048xf32>
        %add3A_79 = arith.addf %dot_general3A_74, %add3A_78 : vector<64x2048xf32>
        %swap3A_80 = arith.index_cast %mul3A_60 : i32 to index
        %swap3A_81 = arith.constant 0 : index
        %swap3A_82 = vector.load %arg7[%swap3A_80, %swap3A_81] : memref<1024x2048xf32, #tpu.memory_space<vmem>>, vector<64x2048xf32>
        tpu.vector_store %arg7[%swap3A_80, %swap3A_81], %add3A_79 {strides = array<i32>} : memref<1024x2048xf32, #tpu.memory_space<vmem>>, vector<64x2048xf32>,
        %get3A_83 = arith.constant 0 : index
        %get3A_84 = arith.constant 0 : index
        %get3A_85 = vector.load %arg9[%get3A_83, %get3A_84] : memref<64x512xf32, #tpu.memory_space<vmem>>, vector<64x512xf32>
        %convert_element_type3A_86 = arith.truncf %get3A_85 : vector<64x512xf32> to vector<64x512xbf16>
        %get3A_87 = arith.constant 0 : index
        %get3A_88 = arith.constant 0 : index
        %get3A_89 = vector.load %arg10[%get3A_87, %get3A_88] : memref<64x512xf32, #tpu.memory_space<vmem>>, vector<64x512xf32>
        %get3A_90 = arith.index_cast %mul3A_60 : i32 to index
        %get3A_91 = arith.constant 0 : index
        %get3A_92 = vector.load %arg8[%get3A_90, %get3A_91] : memref<1024x2048xf32, #tpu.memory_space<vmem>>, vector<64x512xf32>
        %get3A_93 = arith.constant 0 : index
        %get3A_94 = arith.constant 0 : index
        %get3A_95 = vector.load %arg2[%get3A_93, %get3A_94] : memref<512x2048xbf16, #tpu.memory_space<vmem>>, vector<512x512xbf16>
        %dot_general3A_96 = arith.constant dense<0.000000e+00> : vector<64x512xf32>
        %dot_general3A_97 = tpu.matmul %convert_element_type3A_86, %get3A_95, %dot_general3A_96 {dimension_numbers = #tpu.dot_dimension_numbers<[1], [0], [0], [1], [0, 0, 1, 1], [], []>, transpose_lhs_hint = false} : vector<64x512xbf16>, vector<512x512xbf16>, vector<64x512xf32> -> vector<64x512xf32>
        %add3A_98 = arith.addf %get3A_92, %dot_general3A_97 : vector<64x512xf32>
        %mul3A_99 = arith.constant 5.000000e-01 : f32
        %mul3A_100 = vector.broadcast %mul3A_99 : f32 to vector<64x512xf32>
        %mul3A_101 = arith.mulf %mul3A_100, %add3A_98 : vector<64x512xf32>
        %tanh3A = math.tanh %mul3A_101 : vector<64x512xf32>
        %mul3A_102 = arith.constant 5.000000e-01 : f32
        %mul3A_103 = vector.broadcast %mul3A_102 : f32 to vector<64x512xf32>
        %mul3A_104 = arith.mulf %mul3A_103, %tanh3A : vector<64x512xf32>
        %add3A_105 = arith.constant 5.000000e-01 : f32
        %add3A_106 = vector.broadcast %add3A_105 : f32 to vector<64x512xf32>
        %add3A_107 = arith.addf %mul3A_104, %add3A_106 : vector<64x512xf32>
        %get3A_108 = arith.index_cast %mul3A_60 : i32 to index
        %get3A_109 = arith.constant 512 : index
        %get3A_110 = vector.load %arg8[%get3A_108, %get3A_109] : memref<1024x2048xf32, #tpu.memory_space<vmem>>, vector<64x512xf32>
        %get3A_111 = arith.constant 0 : index
        %get3A_112 = arith.constant 512 : index
        %get3A_113 = vector.load %arg2[%get3A_111, %get3A_112] : memref<512x2048xbf16, #tpu.memory_space<vmem>>, vector<512x512xbf16>
        %dot_general3A_114 = arith.constant dense<0.000000e+00> : vector<64x512xf32>
        %dot_general3A_115 = tpu.matmul %convert_element_type3A_86, %get3A_113, %dot_general3A_114 {dimension_numbers = #tpu.dot_dimension_numbers<[1], [0], [0], [1], [0, 0, 1, 1], [], []>, transpose_lhs_hint = false} : vector<64x512xbf16>, vector<512x512xbf16>, vector<64x512xf32> -> vector<64x512xf32>
        %add3A_116 = arith.addf %get3A_110, %dot_general3A_115 : vector<64x512xf32>
        %mul3A_117 = arith.constant 5.000000e-01 : f32
        %mul3A_118 = vector.broadcast %mul3A_117 : f32 to vector<64x512xf32>
        %mul3A_119 = arith.mulf %mul3A_118, %add3A_116 : vector<64x512xf32>
        %tanh3A_120 = math.tanh %mul3A_119 : vector<64x512xf32>
        %mul3A_121 = arith.constant 5.000000e-01 : f32
        %mul3A_122 = vector.broadcast %mul3A_121 : f32 to vector<64x512xf32>
        %mul3A_123 = arith.mulf %mul3A_122, %tanh3A_120 : vector<64x512xf32>
        %add3A_124 = arith.constant 5.000000e-01 : f32
        %add3A_125 = vector.broadcast %add3A_124 : f32 to vector<64x512xf32>
        %add3A_126 = arith.addf %mul3A_123, %add3A_125 : vector<64x512xf32>
        %get3A_127 = arith.index_cast %mul3A_60 : i32 to index
        %get3A_128 = arith.constant 1024 : index
        %get3A_129 = vector.load %arg8[%get3A_127, %get3A_128] : memref<1024x2048xf32, #tpu.memory_space<vmem>>, vector<64x512xf32>
        %get3A_130 = arith.constant 0 : index
        %get3A_131 = arith.constant 1024 : index
        %get3A_132 = vector.load %arg2[%get3A_130, %get3A_131] : memref<512x2048xbf16, #tpu.memory_space<vmem>>, vector<512x512xbf16>
        %dot_general3A_133 = arith.constant dense<0.000000e+00> : vector<64x512xf32>
        %dot_general3A_134 = tpu.matmul %convert_element_type3A_86, %get3A_132, %dot_general3A_133 {dimension_numbers = #tpu.dot_dimension_numbers<[1], [0], [0], [1], [0, 0, 1, 1], [], []>, transpose_lhs_hint = false} : vector<64x512xbf16>, vector<512x512xbf16>, vector<64x512xf32> -> vector<64x512xf32>
        %add3A_135 = arith.addf %get3A_129, %dot_general3A_134 : vector<64x512xf32>
        %tanh3A_136 = math.tanh %add3A_135 : vector<64x512xf32>
        %get3A_137 = arith.index_cast %mul3A_60 : i32 to index
        %get3A_138 = arith.constant 1536 : index
        %get3A_139 = vector.load %arg8[%get3A_137, %get3A_138] : memref<1024x2048xf32, #tpu.memory_space<vmem>>, vector<64x512xf32>
        %get3A_140 = arith.constant 0 : index
        %get3A_141 = arith.constant 1536 : index
        %get3A_142 = vector.load %arg2[%get3A_140, %get3A_141] : memref<512x2048xbf16, #tpu.memory_space<vmem>>, vector<512x512xbf16>
        %dot_general3A_143 = arith.constant dense<0.000000e+00> : vector<64x512xf32>
        %dot_general3A_144 = tpu.matmul %convert_element_type3A_86, %get3A_142, %dot_general3A_143 {dimension_numbers = #tpu.dot_dimension_numbers<[1], [0], [0], [1], [0, 0, 1, 1], [], []>, transpose_lhs_hint = false} : vector<64x512xbf16>, vector<512x512xbf16>, vector<64x512xf32> -> vector<64x512xf32>
        %add3A_145 = arith.addf %get3A_139, %dot_general3A_144 : vector<64x512xf32>
        %mul3A_146 = arith.constant 5.000000e-01 : f32
        %mul3A_147 = vector.broadcast %mul3A_146 : f32 to vector<64x512xf32>
        %mul3A_148 = arith.mulf %mul3A_147, %add3A_145 : vector<64x512xf32>
        %tanh3A_149 = math.tanh %mul3A_148 : vector<64x512xf32>
        %mul3A_150 = arith.constant 5.000000e-01 : f32
        %mul3A_151 = vector.broadcast %mul3A_150 : f32 to vector<64x512xf32>
        %mul3A_152 = arith.mulf %mul3A_151, %tanh3A_149 : vector<64x512xf32>
        %add3A_153 = arith.constant 5.000000e-01 : f32
        %add3A_154 = vector.broadcast %add3A_153 : f32 to vector<64x512xf32>
        %add3A_155 = arith.addf %mul3A_152, %add3A_154 : vector<64x512xf32>
        %mul3A_156 = arith.mulf %add3A_126, %get3A_89 : vector<64x512xf32>
        %mul3A_157 = arith.mulf %add3A_107, %tanh3A_136 : vector<64x512xf32>
        %add3A_158 = arith.addf %mul3A_156, %mul3A_157 : vector<64x512xf32>
        %tanh3A_159 = math.tanh %add3A_158 : vector<64x512xf32>
        %mul3A_160 = arith.mulf %add3A_155, %tanh3A_159 : vector<64x512xf32>
        %swap3A_161 = arith.constant 0 : index
        %swap3A_162 = arith.constant 0 : index
        %swap3A_163 = vector.load %arg9[%swap3A_161, %swap3A_162] : memref<64x512xf32, #tpu.memory_space<vmem>>, vector<64x512xf32>
        tpu.vector_store %arg9[%swap3A_161, %swap3A_162], %mul3A_160 {strides = array<i32>} : memref<64x512xf32, #tpu.memory_space<vmem>>, vector<64x512xf32>,
        %swap3A_164 = arith.constant 0 : index
        %swap3A_165 = arith.constant 0 : index
        %swap3A_166 = vector.load %arg10[%swap3A_164, %swap3A_165] : memref<64x512xf32, #tpu.memory_space<vmem>>, vector<64x512xf32>
        tpu.vector_store %arg10[%swap3A_164, %swap3A_165], %add3A_158 {strides = array<i32>} : memref<64x512xf32, #tpu.memory_space<vmem>>, vector<64x512xf32>,
        %scan3A_167 = arith.constant 1 : i32
        %scan3A_168 = arith.addi %scan3A_58, %scan3A_167 : i32
        %mul3A_169 = arith.constant 64 : i32
        %mul3A_170 = arith.muli %scan3A_168, %mul3A_169 : i32
        %mul3A_171 = arith.constant 16 : i32
        %mul3A_172 = arith.muli %rem3A_52, %mul3A_171 : i32
        %add3A_173 = arith.addi %mul3A_172, %scan3A_168 : i32
        %mul3A_174 = arith.constant 64 : i32
        %mul3A_175 = arith.muli %add3A_173, %mul3A_174 : i32
        %get3A_176 = arith.index_cast %mul3A_175 : i32 to index
        %get3A_177 = arith.constant 0 : index
        %get3A_178 = vector.load %arg0[%get3A_176, %get3A_177] : memref<32768x128xf32, #tpu.memory_space<vmem>>, vector<64x128xf32>
        %convert_element_type3A_179 = arith.truncf %get3A_178 : vector<64x128xf32> to vector<64x128xbf16>
        %get3A_180 = arith.constant 0 : index
        %get3A_181 = arith.constant 0 : index
        %get3A_182 = vector.load %arg1[%get3A_180, %get3A_181] : memref<128x2048xbf16, #tpu.memory_space<vmem>>, vector<128x2048xbf16>
        %dot_general3A_183 = arith.constant dense<0.000000e+00> : vector<64x2048xf32>
        %dot_general3A_184 = tpu.matmul %convert_element_type3A_179, %get3A_182, %dot_general3A_183 {dimension_numbers = #tpu.dot_dimension_numbers<[1], [0], [0], [1], [0, 0, 1, 1], [], []>, transpose_lhs_hint = false} : vector<64x128xbf16>, vector<128x2048xbf16>, vector<64x2048xf32> -> vector<64x2048xf32>
        %get3A_185 = arith.constant 0 : index
        %get3A_186 = arith.constant 0 : index
        %get3A_187 = vector.load %arg3[%get3A_185, %get3A_186] : memref<1x2048xf32, #tpu.memory_space<vmem>>, vector<1x2048xf32>
        %add3A_188 = vector.broadcast %get3A_187 : vector<1x2048xf32> to vector<64x2048xf32>
        %add3A_189 = arith.addf %dot_general3A_184, %add3A_188 : vector<64x2048xf32>
        %swap3A_190 = arith.index_cast %mul3A_170 : i32 to index
        %swap3A_191 = arith.constant 0 : index
        %swap3A_192 = vector.load %arg7[%swap3A_190, %swap3A_191] : memref<1024x2048xf32, #tpu.memory_space<vmem>>, vector<64x2048xf32>
        tpu.vector_store %arg7[%swap3A_190, %swap3A_191], %add3A_189 {strides = array<i32>} : memref<1024x2048xf32, #tpu.memory_space<vmem>>, vector<64x2048xf32>,
        %get3A_193 = arith.constant 0 : index
        %get3A_194 = arith.constant 0 : index
        %get3A_195 = vector.load %arg9[%get3A_193, %get3A_194] : memref<64x512xf32, #tpu.memory_space<vmem>>, vector<64x512xf32>
        %convert_element_type3A_196 = arith.truncf %get3A_195 : vector<64x512xf32> to vector<64x512xbf16>
        %get3A_197 = arith.constant 0 : index
        %get3A_198 = arith.constant 0 : index
        %get3A_199 = vector.load %arg10[%get3A_197, %get3A_198] : memref<64x512xf32, #tpu.memory_space<vmem>>, vector<64x512xf32>
        %get3A_200 = arith.index_cast %mul3A_170 : i32 to index
        %get3A_201 = arith.constant 0 : index
        %get3A_202 = vector.load %arg8[%get3A_200, %get3A_201] : memref<1024x2048xf32, #tpu.memory_space<vmem>>, vector<64x512xf32>
        %get3A_203 = arith.constant 0 : index
        %get3A_204 = arith.constant 0 : index
        %get3A_205 = vector.load %arg2[%get3A_203, %get3A_204] : memref<512x2048xbf16, #tpu.memory_space<vmem>>, vector<512x512xbf16>
        %dot_general3A_206 = arith.constant dense<0.000000e+00> : vector<64x512xf32>
        %dot_general3A_207 = tpu.matmul %convert_element_type3A_196, %get3A_205, %dot_general3A_206 {dimension_numbers = #tpu.dot_dimension_numbers<[1], [0], [0], [1], [0, 0, 1, 1], [], []>, transpose_lhs_hint = false} : vector<64x512xbf16>, vector<512x512xbf16>, vector<64x512xf32> -> vector<64x512xf32>
        %add3A_208 = arith.addf %get3A_202, %dot_general3A_207 : vector<64x512xf32>
        %mul3A_209 = arith.constant 5.000000e-01 : f32
        %mul3A_210 = vector.broadcast %mul3A_209 : f32 to vector<64x512xf32>
        %mul3A_211 = arith.mulf %mul3A_210, %add3A_208 : vector<64x512xf32>
        %tanh3A_212 = math.tanh %mul3A_211 : vector<64x512xf32>
        %mul3A_213 = arith.constant 5.000000e-01 : f32
        %mul3A_214 = vector.broadcast %mul3A_213 : f32 to vector<64x512xf32>
        %mul3A_215 = arith.mulf %mul3A_214, %tanh3A_212 : vector<64x512xf32>
        %add3A_216 = arith.constant 5.000000e-01 : f32
        %add3A_217 = vector.broadcast %add3A_216 : f32 to vector<64x512xf32>
        %add3A_218 = arith.addf %mul3A_215, %add3A_217 : vector<64x512xf32>
        %get3A_219 = arith.index_cast %mul3A_170 : i32 to index
        %get3A_220 = arith.constant 512 : index
        %get3A_221 = vector.load %arg8[%get3A_219, %get3A_220] : memref<1024x2048xf32, #tpu.memory_space<vmem>>, vector<64x512xf32>
        %get3A_222 = arith.constant 0 : index
        %get3A_223 = arith.constant 512 : index
        %get3A_224 = vector.load %arg2[%get3A_222, %get3A_223] : memref<512x2048xbf16, #tpu.memory_space<vmem>>, vector<512x512xbf16>
        %dot_general3A_225 = arith.constant dense<0.000000e+00> : vector<64x512xf32>
        %dot_general3A_226 = tpu.matmul %convert_element_type3A_196, %get3A_224, %dot_general3A_225 {dimension_numbers = #tpu.dot_dimension_numbers<[1], [0], [0], [1], [0, 0, 1, 1], [], []>, transpose_lhs_hint = false} : vector<64x512xbf16>, vector<512x512xbf16>, vector<64x512xf32> -> vector<64x512xf32>
        %add3A_227 = arith.addf %get3A_221, %dot_general3A_226 : vector<64x512xf32>
        %mul3A_228 = arith.constant 5.000000e-01 : f32
        %mul3A_229 = vector.broadcast %mul3A_228 : f32 to vector<64x512xf32>
        %mul3A_230 = arith.mulf %mul3A_229, %add3A_227 : vector<64x512xf32>
        %tanh3A_231 = math.tanh %mul3A_230 : vector<64x512xf32>
        %mul3A_232 = arith.constant 5.000000e-01 : f32
        %mul3A_233 = vector.broadcast %mul3A_232 : f32 to vector<64x512xf32>
        %mul3A_234 = arith.mulf %mul3A_233, %tanh3A_231 : vector<64x512xf32>
        %add3A_235 = arith.constant 5.000000e-01 : f32
        %add3A_236 = vector.broadcast %add3A_235 : f32 to vector<64x512xf32>
        %add3A_237 = arith.addf %mul3A_234, %add3A_236 : vector<64x512xf32>
        %get3A_238 = arith.index_cast %mul3A_170 : i32 to index
        %get3A_239 = arith.constant 1024 : index
        %get3A_240 = vector.load %arg8[%get3A_238, %get3A_239] : memref<1024x2048xf32, #tpu.memory_space<vmem>>, vector<64x512xf32>
        %get3A_241 = arith.constant 0 : index
        %get3A_242 = arith.constant 1024 : index
        %get3A_243 = vector.load %arg2[%get3A_241, %get3A_242] : memref<512x2048xbf16, #tpu.memory_space<vmem>>, vector<512x512xbf16>
        %dot_general3A_244 = arith.constant dense<0.000000e+00> : vector<64x512xf32>
        %dot_general3A_245 = tpu.matmul %convert_element_type3A_196, %get3A_243, %dot_general3A_244 {dimension_numbers = #tpu.dot_dimension_numbers<[1], [0], [0], [1], [0, 0, 1, 1], [], []>, transpose_lhs_hint = false} : vector<64x512xbf16>, vector<512x512xbf16>, vector<64x512xf32> -> vector<64x512xf32>
        %add3A_246 = arith.addf %get3A_240, %dot_general3A_245 : vector<64x512xf32>
        %tanh3A_247 = math.tanh %add3A_246 : vector<64x512xf32>
        %get3A_248 = arith.index_cast %mul3A_170 : i32 to index
        %get3A_249 = arith.constant 1536 : index
        %get3A_250 = vector.load %arg8[%get3A_248, %get3A_249] : memref<1024x2048xf32, #tpu.memory_space<vmem>>, vector<64x512xf32>
        %get3A_251 = arith.constant 0 : index
        %get3A_252 = arith.constant 1536 : index
        %get3A_253 = vector.load %arg2[%get3A_251, %get3A_252] : memref<512x2048xbf16, #tpu.memory_space<vmem>>, vector<512x512xbf16>
        %dot_general3A_254 = arith.constant dense<0.000000e+00> : vector<64x512xf32>
        %dot_general3A_255 = tpu.matmul %convert_element_type3A_196, %get3A_253, %dot_general3A_254 {dimension_numbers = #tpu.dot_dimension_numbers<[1], [0], [0], [1], [0, 0, 1, 1], [], []>, transpose_lhs_hint = false} : vector<64x512xbf16>, vector<512x512xbf16>, vector<64x512xf32> -> vector<64x512xf32>
        %add3A_256 = arith.addf %get3A_250, %dot_general3A_255 : vector<64x512xf32>
        %mul3A_257 = arith.constant 5.000000e-01 : f32
        %mul3A_258 = vector.broadcast %mul3A_257 : f32 to vector<64x512xf32>
        %mul3A_259 = arith.mulf %mul3A_258, %add3A_256 : vector<64x512xf32>
        %tanh3A_260 = math.tanh %mul3A_259 : vector<64x512xf32>
        %mul3A_261 = arith.constant 5.000000e-01 : f32
        %mul3A_262 = vector.broadcast %mul3A_261 : f32 to vector<64x512xf32>
        %mul3A_263 = arith.mulf %mul3A_262, %tanh3A_260 : vector<64x512xf32>
        %add3A_264 = arith.constant 5.000000e-01 : f32
        %add3A_265 = vector.broadcast %add3A_264 : f32 to vector<64x512xf32>
        %add3A_266 = arith.addf %mul3A_263, %add3A_265 : vector<64x512xf32>
        %mul3A_267 = arith.mulf %add3A_237, %get3A_199 : vector<64x512xf32>
        %mul3A_268 = arith.mulf %add3A_218, %tanh3A_247 : vector<64x512xf32>
        %add3A_269 = arith.addf %mul3A_267, %mul3A_268 : vector<64x512xf32>
        %tanh3A_270 = math.tanh %add3A_269 : vector<64x512xf32>
        %mul3A_271 = arith.mulf %add3A_266, %tanh3A_270 : vector<64x512xf32>
        %swap3A_272 = arith.constant 0 : index
        %swap3A_273 = arith.constant 0 : index
        %swap3A_274 = vector.load %arg9[%swap3A_272, %swap3A_273] : memref<64x512xf32, #tpu.memory_space<vmem>>, vector<64x512xf32>
        tpu.vector_store %arg9[%swap3A_272, %swap3A_273], %mul3A_271 {strides = array<i32>} : memref<64x512xf32, #tpu.memory_space<vmem>>, vector<64x512xf32>,
        %swap3A_275 = arith.constant 0 : index
        %swap3A_276 = arith.constant 0 : index
        %swap3A_277 = vector.load %arg10[%swap3A_275, %swap3A_276] : memref<64x512xf32, #tpu.memory_space<vmem>>, vector<64x512xf32>
        tpu.vector_store %arg10[%swap3A_275, %swap3A_276], %add3A_269 {strides = array<i32>} : memref<64x512xf32, #tpu.memory_space<vmem>>, vector<64x512xf32>,
        %scan3A_278 = arith.constant 2 : i32
        %scan3A_279 = arith.addi %scan3A_58, %scan3A_278 : i32
        %mul3A_280 = arith.constant 64 : i32
        %mul3A_281 = arith.muli %scan3A_279, %mul3A_280 : i32
        %mul3A_282 = arith.constant 16 : i32
        %mul3A_283 = arith.muli %rem3A_52, %mul3A_282 : i32
        %add3A_284 = arith.addi %mul3A_283, %scan3A_279 : i32
        %mul3A_285 = arith.constant 64 : i32
        %mul3A_286 = arith.muli %add3A_284, %mul3A_285 : i32
        %get3A_287 = arith.index_cast %mul3A_286 : i32 to index
        %get3A_288 = arith.constant 0 : index
        %get3A_289 = vector.load %arg0[%get3A_287, %get3A_288] : memref<32768x128xf32, #tpu.memory_space<vmem>>, vector<64x128xf32>
        %convert_element_type3A_290 = arith.truncf %get3A_289 : vector<64x128xf32> to vector<64x128xbf16>
        %get3A_291 = arith.constant 0 : index
        %get3A_292 = arith.constant 0 : index
        %get3A_293 = vector.load %arg1[%get3A_291, %get3A_292] : memref<128x2048xbf16, #tpu.memory_space<vmem>>, vector<128x2048xbf16>
        %dot_general3A_294 = arith.constant dense<0.000000e+00> : vector<64x2048xf32>
        %dot_general3A_295 = tpu.matmul %convert_element_type3A_290, %get3A_293, %dot_general3A_294 {dimension_numbers = #tpu.dot_dimension_numbers<[1], [0], [0], [1], [0, 0, 1, 1], [], []>, transpose_lhs_hint = false} : vector<64x128xbf16>, vector<128x2048xbf16>, vector<64x2048xf32> -> vector<64x2048xf32>
        %get3A_296 = arith.constant 0 : index
        %get3A_297 = arith.constant 0 : index
        %get3A_298 = vector.load %arg3[%get3A_296, %get3A_297] : memref<1x2048xf32, #tpu.memory_space<vmem>>, vector<1x2048xf32>
        %add3A_299 = vector.broadcast %get3A_298 : vector<1x2048xf32> to vector<64x2048xf32>
        %add3A_300 = arith.addf %dot_general3A_295, %add3A_299 : vector<64x2048xf32>
        %swap3A_301 = arith.index_cast %mul3A_281 : i32 to index
        %swap3A_302 = arith.constant 0 : index
        %swap3A_303 = vector.load %arg7[%swap3A_301, %swap3A_302] : memref<1024x2048xf32, #tpu.memory_space<vmem>>, vector<64x2048xf32>
        tpu.vector_store %arg7[%swap3A_301, %swap3A_302], %add3A_300 {strides = array<i32>} : memref<1024x2048xf32, #tpu.memory_space<vmem>>, vector<64x2048xf32>,
        %get3A_304 = arith.constant 0 : index
        %get3A_305 = arith.constant 0 : index
        %get3A_306 = vector.load %arg9[%get3A_304, %get3A_305] : memref<64x512xf32, #tpu.memory_space<vmem>>, vector<64x512xf32>
        %convert_element_type3A_307 = arith.truncf %get3A_306 : vector<64x512xf32> to vector<64x512xbf16>
        %get3A_308 = arith.constant 0 : index
        %get3A_309 = arith.constant 0 : index
        %get3A_310 = vector.load %arg10[%get3A_308, %get3A_309] : memref<64x512xf32, #tpu.memory_space<vmem>>, vector<64x512xf32>
        %get3A_311 = arith.index_cast %mul3A_281 : i32 to index
        %get3A_312 = arith.constant 0 : index
        %get3A_313 = vector.load %arg8[%get3A_311, %get3A_312] : memref<1024x2048xf32, #tpu.memory_space<vmem>>, vector<64x512xf32>
        %get3A_314 = arith.constant 0 : index
        %get3A_315 = arith.constant 0 : index
        %get3A_316 = vector.load %arg2[%get3A_314, %get3A_315] : memref<512x2048xbf16, #tpu.memory_space<vmem>>, vector<512x512xbf16>
        %dot_general3A_317 = arith.constant dense<0.000000e+00> : vector<64x512xf32>
        %dot_general3A_318 = tpu.matmul %convert_element_type3A_307, %get3A_316, %dot_general3A_317 {dimension_numbers = #tpu.dot_dimension_numbers<[1], [0], [0], [1], [0, 0, 1, 1], [], []>, transpose_lhs_hint = false} : vector<64x512xbf16>, vector<512x512xbf16>, vector<64x512xf32> -> vector<64x512xf32>
        %add3A_319 = arith.addf %get3A_313, %dot_general3A_318 : vector<64x512xf32>
        %mul3A_320 = arith.constant 5.000000e-01 : f32
        %mul3A_321 = vector.broadcast %mul3A_320 : f32 to vector<64x512xf32>
        %mul3A_322 = arith.mulf %mul3A_321, %add3A_319 : vector<64x512xf32>
        %tanh3A_323 = math.tanh %mul3A_322 : vector<64x512xf32>
        %mul3A_324 = arith.constant 5.000000e-01 : f32
        %mul3A_325 = vector.broadcast %mul3A_324 : f32 to vector<64x512xf32>
        %mul3A_326 = arith.mulf %mul3A_325, %tanh3A_323 : vector<64x512xf32>
        %add3A_327 = arith.constant 5.000000e-01 : f32
        %add3A_328 = vector.broadcast %add3A_327 : f32 to vector<64x512xf32>
        %add3A_329 = arith.addf %mul3A_326, %add3A_328 : vector<64x512xf32>
        %get3A_330 = arith.index_cast %mul3A_281 : i32 to index
        %get3A_331 = arith.constant 512 : index
        %get3A_332 = vector.load %arg8[%get3A_330, %get3A_331] : memref<1024x2048xf32, #tpu.memory_space<vmem>>, vector<64x512xf32>
        %get3A_333 = arith.constant 0 : index
        %get3A_334 = arith.constant 512 : index
        %get3A_335 = vector.load %arg2[%get3A_333, %get3A_334] : memref<512x2048xbf16, #tpu.memory_space<vmem>>, vector<512x512xbf16>
        %dot_general3A_336 = arith.constant dense<0.000000e+00> : vector<64x512xf32>
        %dot_general3A_337 = tpu.matmul %convert_element_type3A_307, %get3A_335, %dot_general3A_336 {dimension_numbers = #tpu.dot_dimension_numbers<[1], [0], [0], [1], [0, 0, 1, 1], [], []>, transpose_lhs_hint = false} : vector<64x512xbf16>, vector<512x512xbf16>, vector<64x512xf32> -> vector<64x512xf32>
        %add3A_338 = arith.addf %get3A_332, %dot_general3A_337 : vector<64x512xf32>
        %mul3A_339 = arith.constant 5.000000e-01 : f32
        %mul3A_340 = vector.broadcast %mul3A_339 : f32 to vector<64x512xf32>
        %mul3A_341 = arith.mulf %mul3A_340, %add3A_338 : vector<64x512xf32>
        %tanh3A_342 = math.tanh %mul3A_341 : vector<64x512xf32>
        %mul3A_343 = arith.constant 5.000000e-01 : f32
        %mul3A_344 = vector.broadcast %mul3A_343 : f32 to vector<64x512xf32>
        %mul3A_345 = arith.mulf %mul3A_344, %tanh3A_342 : vector<64x512xf32>
        %add3A_346 = arith.constant 5.000000e-01 : f32
        %add3A_347 = vector.broadcast %add3A_346 : f32 to vector<64x512xf32>
        %add3A_348 = arith.addf %mul3A_345, %add3A_347 : vector<64x512xf32>
        %get3A_349 = arith.index_cast %mul3A_281 : i32 to index
        %get3A_350 = arith.constant 1024 : index
        %get3A_351 = vector.load %arg8[%get3A_349, %get3A_350] : memref<1024x2048xf32, #tpu.memory_space<vmem>>, vector<64x512xf32>
        %get3A_352 = arith.constant 0 : index
        %get3A_353 = arith.constant 1024 : index
        %get3A_354 = vector.load %arg2[%get3A_352, %get3A_353] : memref<512x2048xbf16, #tpu.memory_space<vmem>>, vector<512x512xbf16>
        %dot_general3A_355 = arith.constant dense<0.000000e+00> : vector<64x512xf32>
        %dot_general3A_356 = tpu.matmul %convert_element_type3A_307, %get3A_354, %dot_general3A_355 {dimension_numbers = #tpu.dot_dimension_numbers<[1], [0], [0], [1], [0, 0, 1, 1], [], []>, transpose_lhs_hint = false} : vector<64x512xbf16>, vector<512x512xbf16>, vector<64x512xf32> -> vector<64x512xf32>
        %add3A_357 = arith.addf %get3A_351, %dot_general3A_356 : vector<64x512xf32>
        %tanh3A_358 = math.tanh %add3A_357 : vector<64x512xf32>
        %get3A_359 = arith.index_cast %mul3A_281 : i32 to index
        %get3A_360 = arith.constant 1536 : index
        %get3A_361 = vector.load %arg8[%get3A_359, %get3A_360] : memref<1024x2048xf32, #tpu.memory_space<vmem>>, vector<64x512xf32>
        %get3A_362 = arith.constant 0 : index
        %get3A_363 = arith.constant 1536 : index
        %get3A_364 = vector.load %arg2[%get3A_362, %get3A_363] : memref<512x2048xbf16, #tpu.memory_space<vmem>>, vector<512x512xbf16>
        %dot_general3A_365 = arith.constant dense<0.000000e+00> : vector<64x512xf32>
        %dot_general3A_366 = tpu.matmul %convert_element_type3A_307, %get3A_364, %dot_general3A_365 {dimension_numbers = #tpu.dot_dimension_numbers<[1], [0], [0], [1], [0, 0, 1, 1], [], []>, transpose_lhs_hint = false} : vector<64x512xbf16>, vector<512x512xbf16>, vector<64x512xf32> -> vector<64x512xf32>
        %add3A_367 = arith.addf %get3A_361, %dot_general3A_366 : vector<64x512xf32>
        %mul3A_368 = arith.constant 5.000000e-01 : f32
        %mul3A_369 = vector.broadcast %mul3A_368 : f32 to vector<64x512xf32>
        %mul3A_370 = arith.mulf %mul3A_369, %add3A_367 : vector<64x512xf32>
        %tanh3A_371 = math.tanh %mul3A_370 : vector<64x512xf32>
        %mul3A_372 = arith.constant 5.000000e-01 : f32
        %mul3A_373 = vector.broadcast %mul3A_372 : f32 to vector<64x512xf32>
        %mul3A_374 = arith.mulf %mul3A_373, %tanh3A_371 : vector<64x512xf32>
        %add3A_375 = arith.constant 5.000000e-01 : f32
        %add3A_376 = vector.broadcast %add3A_375 : f32 to vector<64x512xf32>
        %add3A_377 = arith.addf %mul3A_374, %add3A_376 : vector<64x512xf32>
        %mul3A_378 = arith.mulf %add3A_348, %get3A_310 : vector<64x512xf32>
        %mul3A_379 = arith.mulf %add3A_329, %tanh3A_358 : vector<64x512xf32>
        %add3A_380 = arith.addf %mul3A_378, %mul3A_379 : vector<64x512xf32>
        %tanh3A_381 = math.tanh %add3A_380 : vector<64x512xf32>
        %mul3A_382 = arith.mulf %add3A_377, %tanh3A_381 : vector<64x512xf32>
        %swap3A_383 = arith.constant 0 : index
        %swap3A_384 = arith.constant 0 : index
        %swap3A_385 = vector.load %arg9[%swap3A_383, %swap3A_384] : memref<64x512xf32, #tpu.memory_space<vmem>>, vector<64x512xf32>
        tpu.vector_store %arg9[%swap3A_383, %swap3A_384], %mul3A_382 {strides = array<i32>} : memref<64x512xf32, #tpu.memory_space<vmem>>, vector<64x512xf32>,
        %swap3A_386 = arith.constant 0 : index
        %swap3A_387 = arith.constant 0 : index
        %swap3A_388 = vector.load %arg10[%swap3A_386, %swap3A_387] : memref<64x512xf32, #tpu.memory_space<vmem>>, vector<64x512xf32>
        tpu.vector_store %arg10[%swap3A_386, %swap3A_387], %add3A_380 {strides = array<i32>} : memref<64x512xf32, #tpu.memory_space<vmem>>, vector<64x512xf32>,
        %scan3A_389 = arith.constant 3 : i32
        %scan3A_390 = arith.addi %scan3A_58, %scan3A_389 : i32
        %mul3A_391 = arith.constant 64 : i32
        %mul3A_392 = arith.muli %scan3A_390, %mul3A_391 : i32
        %mul3A_393 = arith.constant 16 : i32
        %mul3A_394 = arith.muli %rem3A_52, %mul3A_393 : i32
        %add3A_395 = arith.addi %mul3A_394, %scan3A_390 : i32
        %mul3A_396 = arith.constant 64 : i32
        %mul3A_397 = arith.muli %add3A_395, %mul3A_396 : i32
        %get3A_398 = arith.index_cast %mul3A_397 : i32 to index
        %get3A_399 = arith.constant 0 : index
        %get3A_400 = vector.load %arg0[%get3A_398, %get3A_399] : memref<32768x128xf32, #tpu.memory_space<vmem>>, vector<64x128xf32>
        %convert_element_type3A_401 = arith.truncf %get3A_400 : vector<64x128xf32> to vector<64x128xbf16>
        %get3A_402 = arith.constant 0 : index
        %get3A_403 = arith.constant 0 : index
        %get3A_404 = vector.load %arg1[%get3A_402, %get3A_403] : memref<128x2048xbf16, #tpu.memory_space<vmem>>, vector<128x2048xbf16>
        %dot_general3A_405 = arith.constant dense<0.000000e+00> : vector<64x2048xf32>
        %dot_general3A_406 = tpu.matmul %convert_element_type3A_401, %get3A_404, %dot_general3A_405 {dimension_numbers = #tpu.dot_dimension_numbers<[1], [0], [0], [1], [0, 0, 1, 1], [], []>, transpose_lhs_hint = false} : vector<64x128xbf16>, vector<128x2048xbf16>, vector<64x2048xf32> -> vector<64x2048xf32>
        %get3A_407 = arith.constant 0 : index
        %get3A_408 = arith.constant 0 : index
        %get3A_409 = vector.load %arg3[%get3A_407, %get3A_408] : memref<1x2048xf32, #tpu.memory_space<vmem>>, vector<1x2048xf32>
        %add3A_410 = vector.broadcast %get3A_409 : vector<1x2048xf32> to vector<64x2048xf32>
        %add3A_411 = arith.addf %dot_general3A_406, %add3A_410 : vector<64x2048xf32>
        %swap3A_412 = arith.index_cast %mul3A_392 : i32 to index
        %swap3A_413 = arith.constant 0 : index
        %swap3A_414 = vector.load %arg7[%swap3A_412, %swap3A_413] : memref<1024x2048xf32, #tpu.memory_space<vmem>>, vector<64x2048xf32>
        tpu.vector_store %arg7[%swap3A_412, %swap3A_413], %add3A_411 {strides = array<i32>} : memref<1024x2048xf32, #tpu.memory_space<vmem>>, vector<64x2048xf32>,
        %get3A_415 = arith.constant 0 : index
        %get3A_416 = arith.constant 0 : index
        %get3A_417 = vector.load %arg9[%get3A_415, %get3A_416] : memref<64x512xf32, #tpu.memory_space<vmem>>, vector<64x512xf32>
        %convert_element_type3A_418 = arith.truncf %get3A_417 : vector<64x512xf32> to vector<64x512xbf16>
        %get3A_419 = arith.constant 0 : index
        %get3A_420 = arith.constant 0 : index
        %get3A_421 = vector.load %arg10[%get3A_419, %get3A_420] : memref<64x512xf32, #tpu.memory_space<vmem>>, vector<64x512xf32>
        %get3A_422 = arith.index_cast %mul3A_392 : i32 to index
        %get3A_423 = arith.constant 0 : index
        %get3A_424 = vector.load %arg8[%get3A_422, %get3A_423] : memref<1024x2048xf32, #tpu.memory_space<vmem>>, vector<64x512xf32>
        %get3A_425 = arith.constant 0 : index
        %get3A_426 = arith.constant 0 : index
        %get3A_427 = vector.load %arg2[%get3A_425, %get3A_426] : memref<512x2048xbf16, #tpu.memory_space<vmem>>, vector<512x512xbf16>
        %dot_general3A_428 = arith.constant dense<0.000000e+00> : vector<64x512xf32>
        %dot_general3A_429 = tpu.matmul %convert_element_type3A_418, %get3A_427, %dot_general3A_428 {dimension_numbers = #tpu.dot_dimension_numbers<[1], [0], [0], [1], [0, 0, 1, 1], [], []>, transpose_lhs_hint = false} : vector<64x512xbf16>, vector<512x512xbf16>, vector<64x512xf32> -> vector<64x512xf32>
        %add3A_430 = arith.addf %get3A_424, %dot_general3A_429 : vector<64x512xf32>
        %mul3A_431 = arith.constant 5.000000e-01 : f32
        %mul3A_432 = vector.broadcast %mul3A_431 : f32 to vector<64x512xf32>
        %mul3A_433 = arith.mulf %mul3A_432, %add3A_430 : vector<64x512xf32>
        %tanh3A_434 = math.tanh %mul3A_433 : vector<64x512xf32>
        %mul3A_435 = arith.constant 5.000000e-01 : f32
        %mul3A_436 = vector.broadcast %mul3A_435 : f32 to vector<64x512xf32>
        %mul3A_437 = arith.mulf %mul3A_436, %tanh3A_434 : vector<64x512xf32>
        %add3A_438 = arith.constant 5.000000e-01 : f32
        %add3A_439 = vector.broadcast %add3A_438 : f32 to vector<64x512xf32>
        %add3A_440 = arith.addf %mul3A_437, %add3A_439 : vector<64x512xf32>
        %get3A_441 = arith.index_cast %mul3A_392 : i32 to index
        %get3A_442 = arith.constant 512 : index
        %get3A_443 = vector.load %arg8[%get3A_441, %get3A_442] : memref<1024x2048xf32, #tpu.memory_space<vmem>>, vector<64x512xf32>
        %get3A_444 = arith.constant 0 : index
        %get3A_445 = arith.constant 512 : index
        %get3A_446 = vector.load %arg2[%get3A_444, %get3A_445] : memref<512x2048xbf16, #tpu.memory_space<vmem>>, vector<512x512xbf16>
        %dot_general3A_447 = arith.constant dense<0.000000e+00> : vector<64x512xf32>
        %dot_general3A_448 = tpu.matmul %convert_element_type3A_418, %get3A_446, %dot_general3A_447 {dimension_numbers = #tpu.dot_dimension_numbers<[1], [0], [0], [1], [0, 0, 1, 1], [], []>, transpose_lhs_hint = false} : vector<64x512xbf16>, vector<512x512xbf16>, vector<64x512xf32> -> vector<64x512xf32>
        %add3A_449 = arith.addf %get3A_443, %dot_general3A_448 : vector<64x512xf32>
        %mul3A_450 = arith.constant 5.000000e-01 : f32
        %mul3A_451 = vector.broadcast %mul3A_450 : f32 to vector<64x512xf32>
        %mul3A_452 = arith.mulf %mul3A_451, %add3A_449 : vector<64x512xf32>
        %tanh3A_453 = math.tanh %mul3A_452 : vector<64x512xf32>
        %mul3A_454 = arith.constant 5.000000e-01 : f32
        %mul3A_455 = vector.broadcast %mul3A_454 : f32 to vector<64x512xf32>
        %mul3A_456 = arith.mulf %mul3A_455, %tanh3A_453 : vector<64x512xf32>
        %add3A_457 = arith.constant 5.000000e-01 : f32
        %add3A_458 = vector.broadcast %add3A_457 : f32 to vector<64x512xf32>
        %add3A_459 = arith.addf %mul3A_456, %add3A_458 : vector<64x512xf32>
        %get3A_460 = arith.index_cast %mul3A_392 : i32 to index
        %get3A_461 = arith.constant 1024 : index
        %get3A_462 = vector.load %arg8[%get3A_460, %get3A_461] : memref<1024x2048xf32, #tpu.memory_space<vmem>>, vector<64x512xf32>
        %get3A_463 = arith.constant 0 : index
        %get3A_464 = arith.constant 1024 : index
        %get3A_465 = vector.load %arg2[%get3A_463, %get3A_464] : memref<512x2048xbf16, #tpu.memory_space<vmem>>, vector<512x512xbf16>
        %dot_general3A_466 = arith.constant dense<0.000000e+00> : vector<64x512xf32>
        %dot_general3A_467 = tpu.matmul %convert_element_type3A_418, %get3A_465, %dot_general3A_466 {dimension_numbers = #tpu.dot_dimension_numbers<[1], [0], [0], [1], [0, 0, 1, 1], [], []>, transpose_lhs_hint = false} : vector<64x512xbf16>, vector<512x512xbf16>, vector<64x512xf32> -> vector<64x512xf32>
        %add3A_468 = arith.addf %get3A_462, %dot_general3A_467 : vector<64x512xf32>
        %tanh3A_469 = math.tanh %add3A_468 : vector<64x512xf32>
        %get3A_470 = arith.index_cast %mul3A_392 : i32 to index
        %get3A_471 = arith.constant 1536 : index
        %get3A_472 = vector.load %arg8[%get3A_470, %get3A_471] : memref<1024x2048xf32, #tpu.memory_space<vmem>>, vector<64x512xf32>
        %get3A_473 = arith.constant 0 : index
        %get3A_474 = arith.constant 1536 : index
        %get3A_475 = vector.load %arg2[%get3A_473, %get3A_474] : memref<512x2048xbf16, #tpu.memory_space<vmem>>, vector<512x512xbf16>
        %dot_general3A_476 = arith.constant dense<0.000000e+00> : vector<64x512xf32>
        %dot_general3A_477 = tpu.matmul %convert_element_type3A_418, %get3A_475, %dot_general3A_476 {dimension_numbers = #tpu.dot_dimension_numbers<[1], [0], [0], [1], [0, 0, 1, 1], [], []>, transpose_lhs_hint = false} : vector<64x512xbf16>, vector<512x512xbf16>, vector<64x512xf32> -> vector<64x512xf32>
        %add3A_478 = arith.addf %get3A_472, %dot_general3A_477 : vector<64x512xf32>
        %mul3A_479 = arith.constant 5.000000e-01 : f32
        %mul3A_480 = vector.broadcast %mul3A_479 : f32 to vector<64x512xf32>
        %mul3A_481 = arith.mulf %mul3A_480, %add3A_478 : vector<64x512xf32>
        %tanh3A_482 = math.tanh %mul3A_481 : vector<64x512xf32>
        %mul3A_483 = arith.constant 5.000000e-01 : f32
        %mul3A_484 = vector.broadcast %mul3A_483 : f32 to vector<64x512xf32>
        %mul3A_485 = arith.mulf %mul3A_484, %tanh3A_482 : vector<64x512xf32>
        %add3A_486 = arith.constant 5.000000e-01 : f32
        %add3A_487 = vector.broadcast %add3A_486 : f32 to vector<64x512xf32>
        %add3A_488 = arith.addf %mul3A_485, %add3A_487 : vector<64x512xf32>
        %mul3A_489 = arith.mulf %add3A_459, %get3A_421 : vector<64x512xf32>
        %mul3A_490 = arith.mulf %add3A_440, %tanh3A_469 : vector<64x512xf32>
        %add3A_491 = arith.addf %mul3A_489, %mul3A_490 : vector<64x512xf32>
        %tanh3A_492 = math.tanh %add3A_491 : vector<64x512xf32>
        %mul3A_493 = arith.mulf %add3A_488, %tanh3A_492 : vector<64x512xf32>
        %swap3A_494 = arith.constant 0 : index
        %swap3A_495 = arith.constant 0 : index
        %swap3A_496 = vector.load %arg9[%swap3A_494, %swap3A_495] : memref<64x512xf32, #tpu.memory_space<vmem>>, vector<64x512xf32>
        tpu.vector_store %arg9[%swap3A_494, %swap3A_495], %mul3A_493 {strides = array<i32>} : memref<64x512xf32, #tpu.memory_space<vmem>>, vector<64x512xf32>,
        %swap3A_497 = arith.constant 0 : index
        %swap3A_498 = arith.constant 0 : index
        %swap3A_499 = vector.load %arg10[%swap3A_497, %swap3A_498] : memref<64x512xf32, #tpu.memory_space<vmem>>, vector<64x512xf32>
        tpu.vector_store %arg10[%swap3A_497, %swap3A_498], %add3A_491 {strides = array<i32>} : memref<64x512xf32, #tpu.memory_space<vmem>>, vector<64x512xf32>,
      }
      %scan3A_57 = arith.constant 16 : i32
    }
    %scan3A_24 = arith.constant 16 : i32
    %get3A_25 = arith.constant 0 : index
    %get3A_26 = arith.constant 0 : index
    %get3A_27 = vector.load %arg9[%get3A_25, %get3A_26] : memref<64x512xf32, #tpu.memory_space<vmem>>, vector<64x512xf32>
    %get3A_28 = arith.constant 0 : index
    %get3A_29 = arith.constant 0 : index
    %get3A_30 = vector.load %arg4[%get3A_28, %get3A_29] : memref<512x1024xf32, #tpu.memory_space<vmem>>, vector<512x1024xf32>
    %dot_general3A_31 = arith.constant dense<0.000000e+00> : vector<64x1024xf32>
    %dot_general3A_32 = tpu.matmul %get3A_27, %get3A_30, %dot_general3A_31 {dimension_numbers = #tpu.dot_dimension_numbers<[1], [0], [0], [1], [0, 0, 1, 1], [], []>, transpose_lhs_hint = false} : vector<64x512xf32>, vector<512x1024xf32>, vector<64x1024xf32> -> vector<64x1024xf32>
    %get3A_33 = arith.constant 0 : index
    %get3A_34 = arith.constant 0 : index
    %get3A_35 = vector.load %arg5[%get3A_33, %get3A_34] : memref<1x1024xf32, #tpu.memory_space<vmem>>, vector<1x1024xf32>
    %add3A_36 = vector.broadcast %get3A_35 : vector<1x1024xf32> to vector<64x1024xf32>
    %add3A_37 = arith.addf %dot_general3A_32, %add3A_36 : vector<64x1024xf32>
    %swap3A_38 = arith.constant 0 : index
    %swap3A_39 = arith.constant 0 : index
    %swap3A_40 = vector.load %arg6[%swap3A_38, %swap3A_39] : memref<64x1024xf32, #tpu.memory_space<vmem>>, vector<64x1024xf32>
    tpu.vector_store %arg6[%swap3A_38, %swap3A_39], %add3A_37 {strides = array<i32>} : memref<64x1024xf32, #tpu.memory_space<vmem>>, vector<64x1024xf32>,
    return
  }
}

</mosaic_0001>

<sc_bundles>
// kernel: kernel.4.cloned.1.call-start
scs
__scs_entry_jumppad:
0x0: {  	(pc) =	sbr.rel $0x88, $3  }
0x1: {  	(tag) =	ssettag $0x0;
	lr =	simm.s32 $0x1  }
0x2: {  	[smem:$0x3F99] =	sst lr;
	_ =	strace $0xD0000000  }
0x3: {  	_ = 	snop  }
0x4: {  	_ = 	snop  }
0x5: {  	_ = 	snop  }
0x6: {  	_ = 	snop  }
0x7: {  	_ = 	snop  }
__scs_overlays_trampoline_lowered:
0x8: {  	[smem:$0x3FA8] =	sst s0  }
0x9: {  	[smem:$0x3FA9] =	sst s1  }
0xa: {  	[smem:$0x3FAA] =	sst s2  }
0xb: {  	[smem:$0x3FAB] =	sst s3  }
0xc: {  	[smem:$0x3FAC] =	sst s4  }
0xd: {  	[smem:$0x3FAD] =	sst s5  }
0xe: {  	[smem:$0x3FAE] =	sst s6  }
0xf: {  	[smem:$0x3FAF] =	sst s7  }
0x10: {  	[smem:$0x3FB0] =	sst s8  }
0x11: {  	[smem:$0x3FB1] =	sst s9;
	s0 =	simm.s32 @!p0 $0x0  }
0x12: {  	s1 =	sld [smem:$0x3F97];
	s0 =	simm.s32 @p0 $0x1  }
0x13: {  	[smem:$0x3FB2] =	sst s0;
	s0 =	simm.s32 @!p1 $0x0  }
0x14: {  	s2 =	sld [smem:$0x3F96];
	s0 =	simm.s32 @p1 $0x1  }
0x15: {  	[smem:$0x3FB3] =	sst s0;
	s0 =	simm.s32 @!p2 $0x0  }
0x16: {  	s3 =	sld [smem:$0x3FDB];
	s0 =	simm.s32 @p2 $0x1  }
0x17: {  	s4 =	simm.s32 $0x1BF5;
	[smem:$0x3FB5] =	sst s0  }
0x18: {  	s0 =	sld [smem:$0x3F98];
	_ =	swait.ge [sflag:s4], $0x0  }
0x19: {  	s7 =	sld [smem:$0x3F99]  }
0x1a: {  	s8 =	sadd.s32 $0xFFFFE003, lr  }
0x1b: {  	s9 =	sadd.s32 $0xFFFFFEF7, lr;
	s5 =	simm.s32 $0xFFFFFFFF;
	p2 =	slt.u32 s8, $0xFFFFF086  }
0x1c: {  	p1 =	slt.u32 s9, $0xF7A;
	s5 =	simm.s32 @!p2 $0x0  }
0x1d: {  	s5 =	simm.s32 @p1 $0x1;
	p0 =	seq.s32 s7, s2  }
0x1e: {  	s7 =	smul.u32 @!p0 $0xF7A, s2;
	p2 =	seq.s32 @!p0 s5, $0x0  }
0x1f: {  	s9 =	smul.u32 $0xF7A, s1;
	s8 =	simm.s32 @!p0 $0x1BF5;
	p2 =	por !p2, p0  }
0x20: {  	[sflag:s8] =	ssyncset.s32 @!p0 $0xFFFFF086;
	s6 =	sadd.s32 @!p0 s3, s7;
	s7 =	simm.s32 @!p0 $0x108  }
0x21: {  	s3 =	sadd.s32 s3, s9;
	s6 =	sadd.s32 @!p0 $0x88, s6;
	s7 =	simm.s32 @p2 $0x1082  }
0x22: {  	[simem:s7], [sflag:s8] =	dma.local @!p0 [hbm:s6], $0xF7A  }
0x23: {  	s9 =	sor.u32 $0xD0000000, s2;
	s6 =	simm.s32 $0x108;
	_ =	swait.ge @!p0 [sflag:s8], $0x0  }
0x24: {  	s3 =	sadd.s32 $0x88, s3;
	s6 =	simm.s32 @!p1 $0x1082;
	[sflag:s4] =	ssyncset.s32 $0xFFFFF086  }
0x25: {  	[simem:s6], [sflag:s4] =	dma.local [hbm:s3], $0xF7A  }
0x26: {  	[smem:$0x3F99] =	sst s1;
	(tag) =	ssettag s2;
	_ =	strace s9  }
0x27: {  	s1 =	sld [smem:$0x3FA9]  }
0x28: {  	s2 =	sld [smem:$0x3FAA]  }
0x29: {  	s4 =	sld [smem:$0x3FAC]  }
0x2a: {  	p0 =	seq.s32 s5, $0x0;
	s5 =	sld [smem:$0x3FAD]  }
0x2b: {  	s6 =	sld [smem:$0x3FAE]  }
0x2c: {  	s7 =	sld [smem:$0x3FAF]  }
0x2d: {  	s3 =	simm.s32 $0x108;
	s8 =	sld [smem:$0x3FB0]  }
0x2e: {  	s3 =	simm.s32 @!p0 $0x1082;
	s9 =	sld [smem:$0x3FB1]  }
0x2f: {  	lr =	sadd.s32 s0, s3;
	s0 =	sld [smem:$0x3FA8]  }
0x30: {  	s3 =	sld [smem:$0x3FAB]  }
0x31: {  	[smem:$0x3FB4] =	sst s10  }
0x32: {  	s10 =	sld [smem:$0x3FB2];
	_ =	sdelay $0x3  }
0x33: {  	p0 =	seq.s32 s10, $0x1;
	s10 =	sld [smem:$0x3FB4];
	_ =	sdelay $0x3  }
0x34: {  	[smem:$0x3FB4] =	sst s10  }
0x35: {  	s10 =	sld [smem:$0x3FB3];
	_ =	sdelay $0x3  }
0x36: {  	p1 =	seq.s32 s10, $0x1;
	s10 =	sld [smem:$0x3FB4];
	_ =	sdelay $0x3  }
0x37: {  	[smem:$0x3FB4] =	sst s10  }
0x38: {  	s10 =	sld [smem:$0x3FB5]  }
0x39: {  	_ = 	snop;
	(pc) =	sbr.ind lr, $3  }
0x3a: {  	_ = 	snop  }
0x3b: {  	_ = 	snop  }
0x3c: {  	p2 =	seq.s32 s10, $0x1;
	s10 =	sld [smem:$0x3FB4]  }
0x3d: {  	_ =	shalt  }
0x3e: {  	_ =	shalt  }
0x3f: {  	_ =	shalt  }
0x40: {  	_ =	shalt  }
0x41: {  	_ =	shalt  }
0x42: {  	_ =	shalt  }
0x43: {  	_ =	shalt  }
0x44: {  	_ =	shalt  }
0x45: {  	_ =	shalt  }
0x46: {  	_ =	shalt  }
0x47: {  	_ =	shalt  }
0x48: {  	_ =	shalt  }
0x49: {  	_ =	shalt  }
0x4a: {  	_ =	shalt  }
0x4b: {  	_ =	shalt  }
0x4c: {  	_ =	shalt  }
0x4d: {  	_ =	shalt  }
0x4e: {  	_ =	shalt  }
0x4f: {  	_ =	shalt  }
0x50: {  	_ =	shalt  }
0x51: {  	_ =	shalt  }
0x52: {  	_ =	shalt  }
0x53: {  	_ =	shalt  }
0x54: {  	_ =	shalt  }
0x55: {  	_ =	shalt  }
0x56: {  	_ =	shalt  }
0x57: {  	_ =	shalt  }
0x58: {  	_ =	shalt  }
0x59: {  	_ =	shalt  }
0x5a: {  	_ =	shalt  }
0x5b: {  	_ =	shalt  }
0x5c: {  	_ =	shalt  }
0x5d: {  	_ =	shalt  }
0x5e: {  	_ =	shalt  }
0x5f: {  	_ =	shalt  }
0x60: {  	_ =	shalt  }
0x61: {  	_ =	shalt  }
0x62: {  	_ =	shalt  }
0x63: {  	_ =	shalt  }
0x64: {  	_ =	shalt  }
0x65: {  	_ =	shalt  }
0x66: {  	_ =	shalt  }
0x67: {  	_ =	shalt  }
0x68: {  	_ =	shalt  }
0x69: {  	_ =	shalt  }
0x6a: {  	_ =	shalt  }
0x6b: {  	_ =	shalt  }
0x6c: {  	_ =	shalt  }
0x6d: {  	_ =	shalt  }
0x6e: {  	_ =	shalt  }
0x6f: {  	_ =	shalt  }
0x70: {  	_ =	shalt  }
0x71: {  	_ =	shalt  }
0x72: {  	_ =	shalt  }
0x73: {  	_ =	shalt  }
0x74: {  	_ =	shalt  }
0x75: {  	_ =	shalt  }
0x76: {  	_ =	shalt  }
0x77: {  	_ =	shalt  }
0x78: {  	_ =	shalt  }
0x79: {  	_ =	shalt  }
0x7a: {  	_ =	shalt  }
0x7b: {  	_ =	shalt  }
0x7c: {  	_ =	shalt  }
0x7d: {  	_ =	shalt  }
0x7e: {  	_ =	shalt  }
0x7f: {  	_ =	shalt  }
0x80: {  	_ =	shalt  }
0x81: {  	_ =	shalt  }
0x82: {  	_ =	shalt  }
0x83: {  	_ =	shalt  }
0x84: {  	_ =	shalt  }
0x85: {  	_ =	shalt  }
0x86: {  	_ =	shalt  }
0x87: {  	_ =	shalt  }
.Lfunc_end0:
.L_simem_size_0:
called_computation_lowered:
.L_overlay_start_0:
0x88: {  	s2 =	sld [smem:$0x3FD9]  }
0x89: {  	s3 =	sld [smem:$0x3FFE];
	_ =	sdelay $0x1  }
0x8a: {  	s1 =	srdreg.scid  }
0x8b: {  	s0 =	sand.u32 $0x1, s1  }
0x8c: {  	s17 =	sshll.u32 s0, $0xA;
	s2 =	sadd.s32 s3, s2  }
0x8d: {  	s2 =	sadd.s32 s2, s17  }
0x8e: {  	[smem:$0x3FC0] =	sst s2  }
0x8f: {  	_ = 	snop  }
0x90: {  	s2 =	sld [smem:$0x3FC8]  }
0x91: {  	s18 =	sld [smem:$0x3FD0];
	(tm) =	ssettm $0x1  }
0x92: {  	s4 =	sld [smem:$0x3FFB];
	_ =	sdelay $0x3  }
0x93: {  	_ =	strace s4  }
0x94: {  	s4 =	sld [smem:$0x3FFC];
	_ =	sdelay $0x3  }
0x95: {  	_ =	strace s4  }
0x96: {  	s4 =	sld [smem:$0x3FFD];
	_ =	sdelay $0x3  }
0x97: {  	_ =	strace s4  }
0x98: {  	_ =	strace $0x8FFFFFFF  }
0x99: {  	s19 =	sld [smem:$0x3FDB];
	_ =	sdelay $0x1  }
0x9a: {  	s5 =	simm.s32 $_scs_section_size  }
0x9b: {  	s6 =	simm.s32 $_size__tile_overlayer_lowered;
	s7 =	simm.s32 $_tile_overlayer_lowered  }
0x9c: {  	s22 =	simm.s32 $0x1BFF;
	s21 =	sshll.u32 s7, $0x1;
	s4 =	sadd.s32 s5, s19  }
0x9d: {  	s8 =	simm.s32 $0x0;
	s20 =	sshll.u32 s6, $0x1;
	s6 =	sadd.s32 s21, s4  }
0x9e: {  	[timem:s8], [sflag:s22] =	dma.local [hbm:s6], s20  }
0x9f: {  	_ =	swait.ge [sflag:s22], s20  }
0xa0: {  	s5 =	ssub.s32 $0x0, s20;
	[sflag:s22] =	ssyncset.done $0x0  }
0xa1: {  	[sflag:s22] =	ssyncadd.s32 s5;
	_ =	sdelay $0x1  }
0xa2: {  	s23 =	simm.s32 $0x1B8B  }
0xa3: {  	_ =	swait.ge [sflag:s23], $0x1  }
0xa4: {  	[sflag:s23] =	ssyncset.done $0x0  }
0xa5: {  	s25 =	simm.s32 $0x1B8E;
	s24 =	sld [smem:$0x3FFE];
	[sflag:s23] =	ssyncadd.s32 $0xFFFFFFFF  }
0xa6: {  	s26 =	simm.s32 $execute0_lowered;
	[smem:$0x3FD2] =	sst s25  }
0xa7: {  	s6 =	sshll.u32 s26, $0x1;
	_ =	strace $0x80000046;
	[dreg:$0x1] =	wrdreg $0xFFFFFFFF  }
0xa8: {  	s28 =	simm.s32 $_size_execute0_lowered;
	s4 =	sadd.s32 s4, s6;
	[dreg:$0x0] =	wrdreg $0x0  }
0xa9: {  	s6 =	sshll.u32 s28, $0x1;
	[dreg:$0x2] =	wrdreg s4  }
0xaa: {  	[dreg:$0x3] =	wrdreg s6  }
0xab: {  	[dreg:$0x4] =	wrdreg $0xC0  }
0xac: {  	_ =	task [dreg:s8], $0x5FFFF  }
0xad: {  	[dreg:$0x1] =	wrdreg $0xFFFFFFFF  }
0xae: {  	[dreg:$0x0] =	wrdreg $0x60  }
0xaf: {  	[dreg:$0x2] =	wrdreg s18  }
0xb0: {  	[dreg:$0x3] =	wrdreg s2  }
0xb1: {  	[dreg:$0x4] =	wrdreg s24  }
0xb2: {  	[dreg:$0x5] =	wrdreg $0x9  }
0xb3: {  	_ =	task.clear_ibuf [dreg:s8], $0x6FFFF;
	_ =	strace $0x90000046  }
0xb4: {  	s29 =	simm.s32 $0x9;
	_ =	strace $0x80000048  }
0xb5: {  	_ =	swait.ge [sflag:s29], $0x1  }
0xb6: {  	[sflag:s29] =	ssyncadd.s32 $0xFFFFFFFF  }
0xb7: {  	_ =	strace $0x90000048  }
0xb8: {  	_ =	sfence  }
0xb9: {  	s30 =	sld [smem:$0x0];
	_ =	sdelay $0x2  }
0xba: {  	s31 =	sshll.u32 s1, $0xD;
	s1 =	sshrl.u32 s1, $0x2  }
0xbb: {  	s3 =	sand.u32 $0x4000, s31;
	s1 =	sadd.s32 s1, s30  }
0xbc: {  	s0 =	sor.u32 s3, s0;
	s1 =	sshll.u32 s1, $0x11  }
0xbd: {  	s0 =	sor.u32 s1, s0  }
0xbe: {  	s0 =	sadd.s32 $0x8F2B, s0  }
0xbf: {  	[sflag:s0] =	ssyncadd.remote.s32 $0x1  }
0xc0: {  	_ =	sfence.sel $0xFFFF  }
0xc1: {  	[dreg:$0x0] =	wrdreg $0xFFFFFFFF;
	(pc) =	sbr.abs _section_cstart, $3  }
0xc2: {  	[dreg:$0x1] =	wrdreg $0xFFFFFFFF  }
0xc3: {  	_ =	task.clear_ibuf [dreg:s8], $0x2FFFF;
	_ =	strace $0x9FFFFFFF  }
0xc4: {  	(tm) =	ssettm $0x7FFFFFFF  }
0xc5: {  	_ =	shalt  }
tec
execute0_lowered:
.L_overlay_start_1:
0x0: {  	(tag) =	ssettag $0x1  }
0x1: {  	s9 =	rddreg [dreg:$0x0];
	s1 =	srdreg.scid  }
0x2: {  	s2 =	rddreg [dreg:$0x1];
	s0 =	stileid.u32;
	s10 =	sand.u32 $0x1, s1  }
0x3: {  	s8 =	rddreg [dreg:$0x2];
	s4 =	sshll.u32 s0, $0xB;
	s5 =	sshll.u32 s10, $0xA  }
0x4: {  	s3 =	simm.s32 $0x0;
	s1 =	rddreg [dreg:$0x3];
	s11 =	sor.u32 s5, s4  }
0x5: {  	[smem:$0x7FF] =	sst s3;
	s4 =	sshrl.u32 s11, $0x3  }
0x6: {  	_ =	strace $0x80000047;
	s5 =	sadd.s32 s9, s4;
	s4 =	simm.s32 $0x2  }
0x7: {  	[tilespmem:s3], [sflag:$0x2] =	stream.linear.gather [hbm4b:s5+s3], $0x200, $0x38;
	[tilespmem:$0x10200] =	vst v63  }
0x8: {  	_ =	swait.ge [sflag:s4], $0x200  }
0x9: {  	[sflag:s4] =	ssyncset.done $0x0  }
0xa: {  	s6 =	simm.s32 $0x200;
	s7 =	simm.s32 $0x1;
	[sflag:s4] =	ssyncadd.s32 $0xFFFFFE00  }
0xb: {  	[tilespmem:s6], [sflag:$0x1] =	stream.indirect.gather [hbm4b:s2+s6], $0x80, s3, s6, $0xb8;
	[tilespmem:$0x10200] =	vst v63  }
0xc: {  	_ =	swait.ge [sflag:s7], $0x10000  }
0xd: {  	s12 =	sadd.s32 $0x1200, s8;
	s28 =	sshll.u32 s11, $0x4;
	[sflag:s7] =	ssyncset.done $0x0  }
0xe: {  	s8 =	sadd.s32 s12, s28;
	[sflag:s7] =	ssyncadd.s32 $0xFFFF0000  }
0xf: {  	[hbm4b:s8+s3] =	stream.linear.scatter [tilespmem:s6], [sflag:$0x2], $0x10000, $0x38;
	[tilespmem:$0x10200] =	vst v63  }
0x10: {  	s11 =	sor.u32 $0x200, s11;
	_ =	swait.ge [sflag:s4], $0x10000  }
0x11: {  	s13 =	sshrl.u32 s11, $0x3;
	[sflag:s4] =	ssyncset.done $0x0  }
0x12: {  	s10 =	ssub.s32 $0x2, s10;
	s9 =	sadd.s32 s9, s13;
	[sflag:s4] =	ssyncadd.s32 $0xFFFF0000  }
0x13: {  	[tilespmem:s3], [sflag:$0x2] =	stream.linear.gather [hbm4b:s9+s3], $0x200, $0x38;
	[tilespmem:$0x10200] =	vst v63  }
0x14: {  	s29 =	sshrl.u32 s10, $0x1;
	_ =	swait.ge [sflag:s4], $0x200  }
0x15: {  	s13 =	ssub.s32 s10, s29;
	[sflag:s4] =	ssyncset.done $0x0  }
0x16: {  	s31 =	smax.u32 s13, $0x1;
	[sflag:s4] =	ssyncadd.s32 $0xFFFFFE00  }
0x17: {  	[tilespmem:s6], [sflag:$0x1] =	stream.indirect.gather [hbm4b:s2+s6], $0x80, s3, s6, $0xb8;
	[tilespmem:$0x10200] =	vst v63  }
0x18: {  	p0 =	sne.s32 s31, $0x1;
	_ =	swait.ge [sflag:s7], $0x10000  }
.Ltmp0:
0x19: {  	s30 =	sshll.u32 s11, $0x4;
	[sflag:s7] =	ssyncset.done $0x0;
	(pc) =	sbr.rel @!p0 .LBB2_2-.Ltmp0, $4  }
0x1a: {  	s10 =	sadd.s32 s12, s30;
	[sflag:s7] =	ssyncadd.s32 $0xFFFF0000  }
0x1b: {  	[hbm4b:s10+s3] =	stream.linear.scatter [tilespmem:s6], [sflag:$0x2], $0x10000, $0x38;
	[tilespmem:$0x10200] =	vst v63  }
0x1c: {  	_ =	swait.ge [sflag:s4], $0x10000  }
0x1d: {  	s11 =	sadd.s32 $0xFFFFFFFF, s31;
	[sflag:s4] =	ssyncset.done $0x0  }
.LBB2_1:
0x1e: {  	p0 =	sne.s32 s11, $0x1;
	s11 =	sadd.s32 $0xFFFFFFFF, s11;
	[sflag:s4] =	ssyncadd.s32 $0xFFFF0000  }
0x1f: {  	[tilespmem:s3], [sflag:$0x2] =	stream.linear.gather [hbm4b:s5+s3], $0x200, $0x38;
	[tilespmem:$0x10200] =	vst v63  }
0x20: {  	_ =	swait.ge [sflag:s4], $0x200  }
0x21: {  	[sflag:s4] =	ssyncset.done $0x0  }
0x22: {  	[sflag:s4] =	ssyncadd.s32 $0xFFFFFE00  }
0x23: {  	[tilespmem:s6], [sflag:$0x1] =	stream.indirect.gather [hbm4b:s2+s6], $0x80, s3, s6, $0xb8;
	[tilespmem:$0x10200] =	vst v63  }
0x24: {  	_ =	swait.ge [sflag:s7], $0x10000  }
0x25: {  	[sflag:s7] =	ssyncset.done $0x0  }
0x26: {  	[sflag:s7] =	ssyncadd.s32 $0xFFFF0000  }
0x27: {  	[hbm4b:s8+s3] =	stream.linear.scatter [tilespmem:s6], [sflag:$0x2], $0x10000, $0x38;
	[tilespmem:$0x10200] =	vst v63  }
0x28: {  	_ =	swait.ge [sflag:s4], $0x10000  }
0x29: {  	[sflag:s4] =	ssyncset.done $0x0  }
0x2a: {  	[sflag:s4] =	ssyncadd.s32 $0xFFFF0000  }
0x2b: {  	[tilespmem:s3], [sflag:$0x2] =	stream.linear.gather [hbm4b:s9+s3], $0x200, $0x38;
	[tilespmem:$0x10200] =	vst v63  }
0x2c: {  	_ =	swait.ge [sflag:s4], $0x200  }
0x2d: {  	[sflag:s4] =	ssyncset.done $0x0  }
0x2e: {  	[sflag:s4] =	ssyncadd.s32 $0xFFFFFE00  }
0x2f: {  	[tilespmem:s6], [sflag:$0x1] =	stream.indirect.gather [hbm4b:s2+s6], $0x80, s3, s6, $0xb8;
	[tilespmem:$0x10200] =	vst v63  }
0x30: {  	_ =	swait.ge [sflag:s7], $0x10000  }
.Ltmp1:
0x31: {  	[sflag:s7] =	ssyncset.done $0x0;
	(pc) =	sbr.rel @p0 .LBB2_1-.Ltmp1, $4  }
0x32: {  	[sflag:s7] =	ssyncadd.s32 $0xFFFF0000  }
0x33: {  	[hbm4b:s10+s3] =	stream.linear.scatter [tilespmem:s6], [sflag:$0x2], $0x10000, $0x38;
	[tilespmem:$0x10200] =	vst v63  }
0x34: {  	_ =	swait.ge [sflag:s4], $0x10000  }
0x35: {  	[sflag:s4] =	ssyncset.done $0x0  }
.LBB2_2:
0x36: {  	[sflag:s4] =	ssyncadd.s32 $0xFFFF0000  }
0x37: {  	_ =	sfence.sel $0x180000  }
0x38: {  	[bflag:$0x0] =	sbarrier.arrive $0xFFFF  }
0x39: {  	p0 =	sne.s32 s0, $0x0;
	_ =	strace $0x90000047  }
0x3a: {  	s0 =	sadd.s32 @!p0 $0x100000, s1;
	[bflag:$0x2] =	sbarrier.arrive $0xFFFF  }
0x3b: {  	[sflag:s0] =	ssyncadd.tile.s32 @!p0 $0x1;
	_ =	shalt  }
.Lfunc_end2:
_tile_overlayer_lowered:
.L_overlay_start_2:
0x3c: {  	(tag) =	ssettag $0x2  }
0x3d: {  	s0 =	rddreg [dreg:$0x0];
	s2 =	stileid.u32  }
0x3e: {  	s1 =	rddreg [dreg:$0x1];
	p0 =	sne.s32 s2, $0x0  }
0x3f: {  	s3 =	rddreg [dreg:$0x2];
	[bflag:$0x3] =	sbarrier.arrive $0xFFFF;
	s2 =	simm.s32 @!p0 $0x1C02  }
0x40: {  	[timem:s3], [sflag:s2] =	dma.local @!p0 [hbm:s0], s1  }
0x41: {  	s0 =	simm.s32 @!p0 $0x2  }
0x42: {  	_ =	swait.ge @!p0 [sflag:s0], s1  }
0x43: {  	s1 =	ssub.s32 @!p0 $0x0, s1;
	[sflag:s0] =	ssyncset.done @!p0 $0x0  }
0x44: {  	[sflag:s0] =	ssyncadd.s32 @!p0 s1  }
0x45: {  	[bflag:$0x3] =	sbarrier.arrive $0xFFFF  }
0x46: {  	_ =	shalt  }

</sc_bundles>
